<compile_context>
chip_gen: v7x
topology: tpu7x:2x2x1
jax: 0.10.2.dev20260603
libtpu: 0.0.44.dev20260713+nightly
codegen_flags: <defaults>
</compile_context>

<pallas_src>
import functools

import jax
import jax.numpy as jnp
from jax import lax
from jax.experimental import pallas as pl
from jax.experimental.pallas import tpu as pltpu
from jax.experimental.pallas import tpu_sc as plsc

_F32 = jnp.float32
_I32 = jnp.int32


def _fps_body(xx_ref, yy_ref, nx_ref, ny_ref):
    B, N = xx_ref.shape
    NP = nx_ref.shape[1]
    xx = xx_ref[...]
    yy = yy_ref[...]
    xy2 = jnp.concatenate([xx, yy], axis=0)
    iota = lax.broadcasted_iota(_I32, (B, N), 1)
    col = lax.broadcasted_iota(_I32, (B, NP), 1)

    def step(i, carry):
        distance, farthest, nx_a, ny_a = carry
        heref = (col == i).astype(_F32)
        onehot = iota == farthest
        oh2 = jnp.concatenate([onehot, onehot], axis=0)
        red = jnp.sum(jnp.where(oh2, xy2, 0.0), axis=1, keepdims=True)
        cx = red[:B]
        cy = red[B:]
        nx_a = nx_a + heref * cx
        ny_a = ny_a + heref * cy
        dx = xx - cx
        dy = yy - cy
        dist = dx * dx + dy * dy
        distance = jnp.minimum(distance, dist)
        m = jnp.max(distance, axis=1, keepdims=True)
        sel = jnp.where(distance == m, iota, N)
        farthest = jnp.min(sel, axis=1, keepdims=True)
        return distance, farthest, nx_a, ny_a

    distance0 = jnp.full((B, N), 1e10, dtype=_F32)
    farthest0 = jnp.zeros((B, 1), dtype=_I32)
    nxy0 = jnp.zeros((B, NP), dtype=_F32)
    _, _, nx, ny = lax.fori_loop(
        0, NP, step, (distance0, farthest0, nxy0, nxy0))
    nx_ref[...] = nx
    ny_ref[...] = ny


def _fps_call(xx, yy, NP):
    B, N = xx.shape
    return pl.pallas_call(
        _fps_body,
        out_shape=[
            jax.ShapeDtypeStruct((B, NP), _F32),
            jax.ShapeDtypeStruct((B, NP), _F32),
        ],
    )(xx, yy)


def _knn_body(xxs_ref, yys_ref, nx_ref, ny_ref, out_ref, *, K):
    N = xxs_ref.shape[1]
    NP = nx_ref.shape[2]
    px = xxs_ref[0]
    py = yys_ref[0]
    sx = nx_ref[0]
    sy = ny_ref[0]
    dx = px - sx
    dy = py - sy
    dist = dx * dx + dy * dy
    i0 = lax.broadcasted_iota(_I32, (N, NP), 0)
    for k in range(K):
        m = jnp.min(dist, axis=0, keepdims=True)
        sel = jnp.where(dist == m, i0, N)
        j = jnp.min(sel, axis=0, keepdims=True)
        out_ref[0, pl.ds(k, 1), :] = j
        dist = jnp.where(i0 == j, jnp.float32(jnp.inf), dist)


def _knn_call(xxs, yys, nx, ny, K):
    B, N, _ = xxs.shape
    NP = nx.shape[2]
    return pl.pallas_call(
        functools.partial(_knn_body, K=K),
        grid=(B,),
        in_specs=[
            pl.BlockSpec((1, N, 1), lambda b: (b, 0, 0)),
            pl.BlockSpec((1, N, 1), lambda b: (b, 0, 0)),
            pl.BlockSpec((1, 1, NP), lambda b: (b, 0, 0)),
            pl.BlockSpec((1, 1, NP), lambda b: (b, 0, 0)),
        ],
        out_specs=pl.BlockSpec((1, K, NP), lambda b: (b, 0, 0)),
        out_shape=jax.ShapeDtypeStruct((B, K, NP), _I32),
    )(xxs, yys, nx, ny)


def _gather_rows(table, gidx):
    T = gidx.shape[0]
    D = table.shape[1]
    info = plsc.get_sparse_core_info()
    NW = info.num_cores * info.num_subcores
    per_w = T // NW
    CH = 128
    n_ch = per_w // CH
    mesh = plsc.VectorSubcoreMesh(core_axis_name="c", subcore_axis_name="s")

    @functools.partial(
        pl.kernel,
        mesh=mesh,
        out_type=jax.ShapeDtypeStruct((T, D), _F32),
        scratch_types=[
            pltpu.VMEM((CH,), _I32),
            pltpu.VMEM((CH,), _I32),
            pltpu.VMEM((CH, D), _F32),
            pltpu.VMEM((CH, D), _F32),
            pltpu.SemaphoreType.DMA,
            pltpu.SemaphoreType.DMA,
            pltpu.SemaphoreType.DMA,
            pltpu.SemaphoreType.DMA,
        ],
    )
    def k(table_hbm, idx_hbm, out_hbm, i0_v, i1_v, r0_v, r1_v,
          g0sem, g1sem, w0sem, w1sem):
        nc = info.num_cores
        wid = lax.axis_index("s") * nc + lax.axis_index("c")
        base = wid * per_w
        idxb = [i0_v, i1_v]
        rows = [r0_v, r1_v]
        gsem = [g0sem, g1sem]
        wsem = [w0sem, w1sem]
        gpend = [None, None]
        wpend = [None, None]
        boffs = [None, None]
        for j in range(n_ch):
            b = j & 1
            if wpend[b] is not None:
                wpend[b].wait()
            b0 = pl.multiple_of(base + j * CH, CH)
            pltpu.sync_copy(idx_hbm.at[pl.ds(b0, CH)], idxb[b])
            gpend[b] = pltpu.async_copy(table_hbm.at[idxb[b]], rows[b],
                                        gsem[b])
            boffs[b] = b0
            p = b ^ 1
            if gpend[p] is not None:
                gpend[p].wait()
                wpend[p] = pltpu.async_copy(
                    rows[p], out_hbm.at[pl.ds(boffs[p], CH)], wsem[p])
                gpend[p] = None
        last = (n_ch - 1) & 1
        if gpend[last] is not None:
            gpend[last].wait()
            wpend[last] = pltpu.async_copy(
                rows[last], out_hbm.at[pl.ds(boffs[last], CH)], wsem[last])
        for b in range(2):
            if wpend[b] is not None:
                wpend[b].wait()

    return k(table, gidx)


def _k5_body(g_ref, nxy_ref, w1_ref, w1c_ref, b1_ref, sum_ref, sq_ref):
    K, SCH, C = g_ref.shape[1:]
    O = w1_ref.shape[0]
    g = g_ref[0]
    nxy = nxy_ref[0]
    q = lax.dot_general(g.reshape(K * SCH, C), w1_ref[...],
                        (((1,), (1,)), ((), ())),
                        preferred_element_type=_F32)
    c = lax.dot_general(nxy, w1c_ref[...], (((1,), (1,)), ((), ())),
                        preferred_element_type=_F32)
    x1 = q.reshape(K, SCH, O) - c[None, :, :] + b1_ref[...][None]
    x1f = x1.reshape(K * SCH, O)
    sum_ref[0, 0] = jnp.sum(x1f, axis=0, keepdims=True)
    sq_ref[0, 0] = jnp.sum(x1f * x1f, axis=0, keepdims=True)


def _k5_call(G4, new_xy, W1, W1c, b1_2d, SCH):
    B, K, NP, C = G4.shape
    O = W1.shape[0]
    NCH = NP // SCH
    return pl.pallas_call(
        _k5_body,
        grid=(B, NCH),
        in_specs=[
            pl.BlockSpec((1, K, SCH, C), lambda b, j: (b, 0, j, 0)),
            pl.BlockSpec((1, SCH, 2), lambda b, j: (b, j, 0)),
            pl.BlockSpec((O, C), lambda b, j: (0, 0)),
            pl.BlockSpec((O, 2), lambda b, j: (0, 0)),
            pl.BlockSpec((1, O), lambda b, j: (0, 0)),
        ],
        out_specs=[
            pl.BlockSpec((1, 1, 1, O), lambda b, j: (b, j, 0, 0)),
            pl.BlockSpec((1, 1, 1, O), lambda b, j: (b, j, 0, 0)),
        ],
        out_shape=[
            jax.ShapeDtypeStruct((B, NCH, 1, O), _F32),
            jax.ShapeDtypeStruct((B, NCH, 1, O), _F32),
        ],
    )(G4, new_xy, W1, W1c, b1_2d)


def _k6_body(g_ref, nxy_ref, w1_ref, w1c_ref, b1_ref, s1_ref, t1_ref, w2_ref,
             b2_ref, mx_ref, mn_ref, sum_ref, sq_ref):
    K, SCH, C = g_ref.shape[1:]
    O = w1_ref.shape[0]
    O2 = w2_ref.shape[0]
    g = g_ref[0]
    nxy = nxy_ref[0]
    q = lax.dot_general(g.reshape(K * SCH, C), w1_ref[...],
                        (((1,), (1,)), ((), ())),
                        preferred_element_type=_F32)
    c = lax.dot_general(nxy, w1c_ref[...], (((1,), (1,)), ((), ())),
                        preferred_element_type=_F32)
    x1 = q.reshape(K, SCH, O) - c[None, :, :] + b1_ref[...][None]
    x1f = x1.reshape(K * SCH, O)
    h = jnp.maximum(x1f * s1_ref[...] + t1_ref[...], 0.0)
    x2 = lax.dot_general(h, w2_ref[...], (((1,), (1,)), ((), ())),
                         preferred_element_type=_F32) + b2_ref[...]
    sum_ref[0, 0] = jnp.sum(x2, axis=0, keepdims=True)
    sq_ref[0, 0] = jnp.sum(x2 * x2, axis=0, keepdims=True)
    x2r = x2.reshape(K, SCH, O2)
    mx_ref[0] = jnp.max(x2r, axis=0)
    mn_ref[0] = jnp.min(x2r, axis=0)


def _k6_call(G4, new_xy, W1, W1c, b1_2d, s1, t1, W2, b2_2d, SCH):
    B, K, NP, C = G4.shape
    O = W1.shape[0]
    O2 = W2.shape[0]
    NCH = NP // SCH
    return pl.pallas_call(
        _k6_body,
        grid=(B, NCH),
        in_specs=[
            pl.BlockSpec((1, K, SCH, C), lambda b, j: (b, 0, j, 0)),
            pl.BlockSpec((1, SCH, 2), lambda b, j: (b, j, 0)),
            pl.BlockSpec((O, C), lambda b, j: (0, 0)),
            pl.BlockSpec((O, 2), lambda b, j: (0, 0)),
            pl.BlockSpec((1, O), lambda b, j: (0, 0)),
            pl.BlockSpec((1, O), lambda b, j: (0, 0)),
            pl.BlockSpec((1, O), lambda b, j: (0, 0)),
            pl.BlockSpec((O2, O), lambda b, j: (0, 0)),
            pl.BlockSpec((1, O2), lambda b, j: (0, 0)),
        ],
        out_specs=[
            pl.BlockSpec((1, SCH, O2), lambda b, j: (b, j, 0)),
            pl.BlockSpec((1, SCH, O2), lambda b, j: (b, j, 0)),
            pl.BlockSpec((1, 1, 1, O2), lambda b, j: (b, j, 0, 0)),
            pl.BlockSpec((1, 1, 1, O2), lambda b, j: (b, j, 0, 0)),
        ],
        out_shape=[
            jax.ShapeDtypeStruct((B, NP, O2), _F32),
            jax.ShapeDtypeStruct((B, NP, O2), _F32),
            jax.ShapeDtypeStruct((B, NCH, 1, O2), _F32),
            jax.ShapeDtypeStruct((B, NCH, 1, O2), _F32),
        ],
    )(G4, new_xy, W1, W1c, b1_2d, s1, t1, W2, b2_2d)


def _k7_body(mx_ref, mn_ref, s2_ref, t2_ref, out_ref):
    mx = mx_ref[0]
    mn = mn_ref[0]
    a = s2_ref[...]
    t = t2_ref[...]
    choose = jnp.where(a >= 0.0, mx, mn)
    out_ref[0] = jnp.maximum(choose * a + t, 0.0)


def _k7_call(mx, mn, s2, t2):
    B, NP, O2 = mx.shape
    return pl.pallas_call(
        _k7_body,
        grid=(B,),
        in_specs=[
            pl.BlockSpec((1, NP, O2), lambda b: (b, 0, 0)),
            pl.BlockSpec((1, NP, O2), lambda b: (b, 0, 0)),
            pl.BlockSpec((1, O2), lambda b: (0, 0)),
            pl.BlockSpec((1, O2), lambda b: (0, 0)),
        ],
        out_specs=pl.BlockSpec((1, NP, O2), lambda b: (b, 0, 0)),
        out_shape=jax.ShapeDtypeStruct((B, NP, O2), _F32),
    )(mx, mn, s2, t2)


def kernel(xy, points, W1, b1, g1, be1, W2, b2, g2, be2):
    B, N, _ = xy.shape
    NP = N // 4
    K = 16
    EPS = 1e-5

    xx = xy[:, :, 0]
    yy = xy[:, :, 1]
    nx, ny = _fps_call(xx, yy, NP)
    new_xy = jnp.stack([nx, ny], axis=-1)

    idxT = _knn_call(xx[:, :, None], yy[:, :, None], nx[:, None, :],
                     ny[:, None, :], K)

    feats = jnp.concatenate([xy, points], axis=-1)
    C = feats.shape[-1]

    gidx = (idxT + (jnp.arange(B, dtype=_I32) * N)[:, None, None]).reshape(-1)
    G = _gather_rows(feats.reshape(B * N, C), gidx)
    G4 = G.reshape(B, K, NP, C)

    W1c = W1[:, :2]
    b1_2d = b1[None, :]
    SCH = 128
    M = jnp.float32(B * NP * K)

    sum1, sq1 = _k5_call(G4, new_xy, W1, W1c, b1_2d, SCH)
    mean1 = jnp.sum(sum1, axis=(0, 1)) / M
    var1 = jnp.maximum(jnp.sum(sq1, axis=(0, 1)) / M - mean1 * mean1, 0.0)
    s1 = g1[None, :] / jnp.sqrt(var1 + EPS)
    t1 = be1[None, :] - mean1 * s1

    mxp, mnp, sum2, sq2 = _k6_call(G4, new_xy, W1, W1c, b1_2d, s1, t1, W2,
                                   b2[None, :], SCH)
    mean2 = jnp.sum(sum2, axis=(0, 1)) / M
    var2 = jnp.maximum(jnp.sum(sq2, axis=(0, 1)) / M - mean2 * mean2, 0.0)
    s2 = g2[None, :] / jnp.sqrt(var2 + EPS)
    t2 = be2[None, :] - mean2 * s2

    out = _k7_call(mxp, mnp, s2, t2)
    return (new_xy, out)

# --- scband reference (transcript-rebuilt; emitter-appended) ---
"""Pipeline reference for scband-transition-down-71064528879924 (READ-ONLY COPY).

The authoritative reference and input builder live on the scoring server;
editing this copy changes nothing except your own understanding.
"""

import jax, jax.numpy as jnp
import numpy as np


def farthest_point_sample(xy, npoint):
    B, N, C = xy.shape
    xy = jax.lax.stop_gradient(xy)
    def body(i, state):
        centroids, distance, farthest = state
        centroids = centroids.at[:, i].set(farthest)
        centroid = xy[jnp.arange(B), farthest, :].reshape(B, 1, C)
        dist = jnp.sum((xy - centroid) ** 2, -1)
        distance = jnp.minimum(distance, dist)
        farthest = jnp.argmax(distance, -1).astype(jnp.int32)
        return (centroids, distance, farthest)
    centroids = jnp.zeros((B, npoint), dtype=jnp.int32)
    distance = jnp.full((B, N), 1e10, dtype=xy.dtype)
    farthest = jnp.zeros((B,), dtype=jnp.int32)
    centroids, _, _ = jax.lax.fori_loop(0, npoint, body, (centroids, distance, farthest))
    return centroids


def index_points(points, idx):
    raw = idx.shape
    B = raw[0]
    idx2 = idx.reshape(B, -1)
    C = points.shape[-1]
    gathered = jnp.take_along_axis(points, jnp.broadcast_to(idx2[:, :, None], (B, idx2.shape[1], C)), axis=1)
    return gathered.reshape(*raw, C)


def square_distance(src, dst):
    return jnp.sum((src[:, :, None, :] - dst[:, None, :, :]) ** 2, axis=-1)


def _bn_relu(x, gamma, beta):
    mean = jnp.mean(x, axis=(0, 2, 3), keepdims=True)
    var = jnp.var(x, axis=(0, 2, 3), keepdims=True)
    xn = (x - mean) / jnp.sqrt(var + 1e-5)
    out = xn * gamma[None, :, None, None] + beta[None, :, None, None]
    return jax.nn.relu(out)


def setup_inputs(seed: int = 0):
    key = jax.random.key(seed)
    ks = jax.random.split(key, 6)
    B, N, D = 8, 2048, 126
    xy = jax.random.normal(ks[0], (B, N, 2), dtype=jnp.float32)
    points = jax.random.normal(ks[1], (B, N, D), dtype=jnp.float32)
    W1 = jax.random.normal(ks[2], (256, 128), dtype=jnp.float32) * 0.05
    b1 = jnp.zeros((256,), dtype=jnp.float32)
    g1 = jnp.ones((256,), dtype=jnp.float32)
    be1 = jnp.zeros((256,), dtype=jnp.float32)
    W2 = jax.random.normal(ks[3], (256, 256), dtype=jnp.float32) * 0.05
    b2 = jnp.zeros((256,), dtype=jnp.float32)
    g2 = jnp.ones((256,), dtype=jnp.float32)
    be2 = jnp.zeros((256,), dtype=jnp.float32)
    return {"xy": xy, "points": points, "W1": W1, "b1": b1, "g1": g1, "be1": be1, "W2": W2, "b2": b2, "g2": g2, "be2": be2}


def reference(xy, points, W1, b1, g1, be1, W2, b2, g2, be2):
    nsample = 16
    B, N, C2 = xy.shape
    npoint = N // 4
    fps_idx = farthest_point_sample(xy, npoint)
    new_xy = index_points(xy, fps_idx)
    dists = square_distance(new_xy, xy)
    idx = jnp.argsort(dists, axis=-1)[:, :, :nsample]
    grouped_xy = index_points(xy, idx)
    grouped_xy_norm = grouped_xy - new_xy.reshape(B, npoint, 1, C2)
    grouped_points = index_points(points, idx)
    new_points = jnp.concatenate([grouped_xy_norm, grouped_points], axis=-1)
    x = jnp.transpose(new_points, (0, 3, 2, 1))
    x = jnp.einsum('oc,bcks->boks', W1, x) + b1[None, :, None, None]
    x = _bn_relu(x, g1, be1)
    x = jnp.einsum('oc,bcks->boks', W2, x) + b2[None, :, None, None]
    x = _bn_relu(x, g2, be2)
    out = jnp.max(x, axis=2)
    out = jnp.transpose(out, (0, 2, 1))
    return (new_xy, out)

if __name__ == "__main__":
    import jax
    _d = setup_inputs()
    print(jax.jit(kernel)(*tuple(_d.values())))

</pallas_src>

<mosaic_0001>
#map = affine_map<(d0, d1) -> (0, 0)>
#map1 = affine_map<(d0, d1) -> (0)>
module attributes {stable_mosaic.version = 14 : i64} {
  func.func @k(%arg0: i32, %arg1: i32, %arg2: memref<16384x128xf32, #tpu.memory_space<hbm>>, %arg3: memref<65536xi32, #tpu.memory_space<hbm>>, %arg4: memref<65536x128xf32, #tpu.memory_space<hbm>>, %arg5: memref<128xi32, #tpu.memory_space<vmem>>, %arg6: memref<128xi32, #tpu.memory_space<vmem>>, %arg7: memref<128x128xf32, #tpu.memory_space<vmem>>, %arg8: memref<128x128xf32, #tpu.memory_space<vmem>>, %arg9: memref<!tpu.dma_semaphore, #tpu.memory_space<semaphore_mem>>, %arg10: memref<!tpu.dma_semaphore, #tpu.memory_space<semaphore_mem>>, %arg11: memref<!tpu.dma_semaphore, #tpu.memory_space<semaphore_mem>>, %arg12: memref<!tpu.dma_semaphore, #tpu.memory_space<semaphore_mem>>) attributes {dimension_semantics = [#tpu.dimension_semantics<core_parallel>, #tpu.dimension_semantics<subcore_parallel>], iteration_bounds = array<i64: 2, 16>, scalar_prefetch = 0 : i64, scratch_operands = 8 : i64, tpu.core_type = #tpu.core_type<sc_vector_subcore>, window_params = [{transform_indices = #map}, {transform_indices = #map1}, {transform_indices = #map}]} {
    %mul3A = arith.constant 2 : i32
    %mul3A_0 = arith.muli %arg1, %mul3A : i32
    %add3A = arith.addi %mul3A_0, %arg0 : i32
    %mul3A_1 = arith.constant 2048 : i32
    %mul3A_2 = arith.muli %add3A, %mul3A_1 : i32
    %add3A_3 = arith.constant 0 : i32
    %add3A_4 = arith.addi %mul3A_2, %add3A_3 : i32
    %multiple_of3A = tpu.assume_multiple %add3A_4, 128 : i32
    "tpu.region"() ({
      %run_scoped3A = tpu.sem_alloc : memref<!tpu.dma_semaphore, #tpu.memory_space<semaphore_mem>>
      %dma_start3A_272 = tpu.memref_slice %arg3[%multiple_of3A] : memref<65536xi32, #tpu.memory_space<hbm>> -> memref<128xi32, #tpu.memory_space<hbm>>
      %dma_start3A_273 = tpu.memref_slice %arg3[%multiple_of3A] : memref<65536xi32, #tpu.memory_space<hbm>> -> memref<128xi32, #tpu.memory_space<hbm>>
      tpu.enqueue_dma source(%dma_start3A_273 : memref<128xi32, #tpu.memory_space<hbm>>) target(%arg5 : memref<128xi32, #tpu.memory_space<vmem>>) target_semaphore(%run_scoped3A : memref<!tpu.dma_semaphore, #tpu.memory_space<semaphore_mem>>)
      %dma_wait3A_274 = tpu.memref_slice %arg3[%multiple_of3A] : memref<65536xi32, #tpu.memory_space<hbm>> -> memref<128xi32, #tpu.memory_space<hbm>>
      %dma_wait3A_275 = tpu.memref_slice %arg3[%multiple_of3A] : memref<65536xi32, #tpu.memory_space<hbm>> -> memref<128xi32, #tpu.memory_space<hbm>>
      tpu.wait_dma2 semaphore(%run_scoped3A : memref<!tpu.dma_semaphore, #tpu.memory_space<semaphore_mem>>) src(%dma_wait3A_275 : memref<128xi32, #tpu.memory_space<hbm>>) dst(%arg5 : memref<128xi32, #tpu.memory_space<vmem>>)
      tpu.yield
    }) : () -> ()
    %dma_start3A = arith.constant 0 : i32
    %dma_start3A_5 = arith.constant 0 : i32
    %dma_start3A_6 = tpu.memref_slice %arg2[%dma_start3A, %dma_start3A_5] : memref<16384x128xf32, #tpu.memory_space<hbm>> -> memref<16384x128xf32, #tpu.memory_space<hbm>>
    tpu.enqueue_indirect_dma source(%dma_start3A_6 : memref<16384x128xf32, #tpu.memory_space<hbm>>) target(%arg7 : memref<128x128xf32, #tpu.memory_space<vmem>>) offsets(%arg5 : memref<128xi32, #tpu.memory_space<vmem>>) semaphore(%arg9 : memref<!tpu.dma_semaphore, #tpu.memory_space<semaphore_mem>>)
    %add3A_7 = arith.constant 128 : i32
    %add3A_8 = arith.addi %mul3A_2, %add3A_7 : i32
    %multiple_of3A_9 = tpu.assume_multiple %add3A_8, 128 : i32
    "tpu.region"() ({
      %run_scoped3A = tpu.sem_alloc : memref<!tpu.dma_semaphore, #tpu.memory_space<semaphore_mem>>
      %dma_start3A_272 = tpu.memref_slice %arg3[%multiple_of3A_9] : memref<65536xi32, #tpu.memory_space<hbm>> -> memref<128xi32, #tpu.memory_space<hbm>>
      %dma_start3A_273 = tpu.memref_slice %arg3[%multiple_of3A_9] : memref<65536xi32, #tpu.memory_space<hbm>> -> memref<128xi32, #tpu.memory_space<hbm>>
      tpu.enqueue_dma source(%dma_start3A_273 : memref<128xi32, #tpu.memory_space<hbm>>) target(%arg6 : memref<128xi32, #tpu.memory_space<vmem>>) target_semaphore(%run_scoped3A : memref<!tpu.dma_semaphore, #tpu.memory_space<semaphore_mem>>)
      %dma_wait3A_274 = tpu.memref_slice %arg3[%multiple_of3A_9] : memref<65536xi32, #tpu.memory_space<hbm>> -> memref<128xi32, #tpu.memory_space<hbm>>
      %dma_wait3A_275 = tpu.memref_slice %arg3[%multiple_of3A_9] : memref<65536xi32, #tpu.memory_space<hbm>> -> memref<128xi32, #tpu.memory_space<hbm>>
      tpu.wait_dma2 semaphore(%run_scoped3A : memref<!tpu.dma_semaphore, #tpu.memory_space<semaphore_mem>>) src(%dma_wait3A_275 : memref<128xi32, #tpu.memory_space<hbm>>) dst(%arg6 : memref<128xi32, #tpu.memory_space<vmem>>)
      tpu.yield
    }) : () -> ()
    %dma_start3A_10 = arith.constant 0 : i32
    %dma_start3A_11 = arith.constant 0 : i32
    %dma_start3A_12 = tpu.memref_slice %arg2[%dma_start3A_10, %dma_start3A_11] : memref<16384x128xf32, #tpu.memory_space<hbm>> -> memref<16384x128xf32, #tpu.memory_space<hbm>>
    tpu.enqueue_indirect_dma source(%dma_start3A_12 : memref<16384x128xf32, #tpu.memory_space<hbm>>) target(%arg8 : memref<128x128xf32, #tpu.memory_space<vmem>>) offsets(%arg6 : memref<128xi32, #tpu.memory_space<vmem>>) semaphore(%arg10 : memref<!tpu.dma_semaphore, #tpu.memory_space<semaphore_mem>>)
    %dma_wait3A = arith.constant 0 : i32
    %dma_wait3A_13 = arith.constant 0 : i32
    %dma_wait3A_14 = tpu.memref_slice %arg2[%dma_wait3A, %dma_wait3A_13] : memref<16384x128xf32, #tpu.memory_space<hbm>> -> memref<16384x128xf32, #tpu.memory_space<hbm>>
    tpu.wait_indirect_dma semaphore(%arg9 : memref<!tpu.dma_semaphore, #tpu.memory_space<semaphore_mem>>) src(%dma_wait3A_14 : memref<16384x128xf32, #tpu.memory_space<hbm>>) dst(%arg7 : memref<128x128xf32, #tpu.memory_space<vmem>>)
    %dma_start3A_15 = arith.constant 0 : i32
    %dma_start3A_16 = tpu.memref_slice %arg4[%multiple_of3A, %dma_start3A_15] : memref<65536x128xf32, #tpu.memory_space<hbm>> -> memref<128x128xf32, #tpu.memory_space<hbm>>
    %dma_start3A_17 = arith.constant 0 : i32
    %dma_start3A_18 = tpu.memref_slice %arg4[%multiple_of3A, %dma_start3A_17] : memref<65536x128xf32, #tpu.memory_space<hbm>> -> memref<128x128xf32, #tpu.memory_space<hbm>>
    tpu.enqueue_dma source(%arg7 : memref<128x128xf32, #tpu.memory_space<vmem>>) target(%dma_start3A_18 : memref<128x128xf32, #tpu.memory_space<hbm>>) target_semaphore(%arg11 : memref<!tpu.dma_semaphore, #tpu.memory_space<semaphore_mem>>)
    %dma_wait3A_19 = arith.constant 0 : i32
    %dma_wait3A_20 = tpu.memref_slice %arg4[%multiple_of3A, %dma_wait3A_19] : memref<65536x128xf32, #tpu.memory_space<hbm>> -> memref<128x128xf32, #tpu.memory_space<hbm>>
    %dma_wait3A_21 = arith.constant 0 : i32
    %dma_wait3A_22 = tpu.memref_slice %arg4[%multiple_of3A, %dma_wait3A_21] : memref<65536x128xf32, #tpu.memory_space<hbm>> -> memref<128x128xf32, #tpu.memory_space<hbm>>
    tpu.wait_dma2 semaphore(%arg11 : memref<!tpu.dma_semaphore, #tpu.memory_space<semaphore_mem>>) src(%arg7 : memref<128x128xf32, #tpu.memory_space<vmem>>) dst(%dma_wait3A_22 : memref<128x128xf32, #tpu.memory_space<hbm>>)
    %add3A_23 = arith.constant 256 : i32
    %add3A_24 = arith.addi %mul3A_2, %add3A_23 : i32
    %multiple_of3A_25 = tpu.assume_multiple %add3A_24, 128 : i32
    "tpu.region"() ({
      %run_scoped3A = tpu.sem_alloc : memref<!tpu.dma_semaphore, #tpu.memory_space<semaphore_mem>>
      %dma_start3A_272 = tpu.memref_slice %arg3[%multiple_of3A_25] : memref<65536xi32, #tpu.memory_space<hbm>> -> memref<128xi32, #tpu.memory_space<hbm>>
      %dma_start3A_273 = tpu.memref_slice %arg3[%multiple_of3A_25] : memref<65536xi32, #tpu.memory_space<hbm>> -> memref<128xi32, #tpu.memory_space<hbm>>
      tpu.enqueue_dma source(%dma_start3A_273 : memref<128xi32, #tpu.memory_space<hbm>>) target(%arg5 : memref<128xi32, #tpu.memory_space<vmem>>) target_semaphore(%run_scoped3A : memref<!tpu.dma_semaphore, #tpu.memory_space<semaphore_mem>>)
      %dma_wait3A_274 = tpu.memref_slice %arg3[%multiple_of3A_25] : memref<65536xi32, #tpu.memory_space<hbm>> -> memref<128xi32, #tpu.memory_space<hbm>>
      %dma_wait3A_275 = tpu.memref_slice %arg3[%multiple_of3A_25] : memref<65536xi32, #tpu.memory_space<hbm>> -> memref<128xi32, #tpu.memory_space<hbm>>
      tpu.wait_dma2 semaphore(%run_scoped3A : memref<!tpu.dma_semaphore, #tpu.memory_space<semaphore_mem>>) src(%dma_wait3A_275 : memref<128xi32, #tpu.memory_space<hbm>>) dst(%arg5 : memref<128xi32, #tpu.memory_space<vmem>>)
      tpu.yield
    }) : () -> ()
    %dma_start3A_26 = arith.constant 0 : i32
    %dma_start3A_27 = arith.constant 0 : i32
    %dma_start3A_28 = tpu.memref_slice %arg2[%dma_start3A_26, %dma_start3A_27] : memref<16384x128xf32, #tpu.memory_space<hbm>> -> memref<16384x128xf32, #tpu.memory_space<hbm>>
    tpu.enqueue_indirect_dma source(%dma_start3A_28 : memref<16384x128xf32, #tpu.memory_space<hbm>>) target(%arg7 : memref<128x128xf32, #tpu.memory_space<vmem>>) offsets(%arg5 : memref<128xi32, #tpu.memory_space<vmem>>) semaphore(%arg9 : memref<!tpu.dma_semaphore, #tpu.memory_space<semaphore_mem>>)
    %dma_wait3A_29 = arith.constant 0 : i32
    %dma_wait3A_30 = arith.constant 0 : i32
    %dma_wait3A_31 = tpu.memref_slice %arg2[%dma_wait3A_29, %dma_wait3A_30] : memref<16384x128xf32, #tpu.memory_space<hbm>> -> memref<16384x128xf32, #tpu.memory_space<hbm>>
    tpu.wait_indirect_dma semaphore(%arg10 : memref<!tpu.dma_semaphore, #tpu.memory_space<semaphore_mem>>) src(%dma_wait3A_31 : memref<16384x128xf32, #tpu.memory_space<hbm>>) dst(%arg8 : memref<128x128xf32, #tpu.memory_space<vmem>>)
    %dma_start3A_32 = arith.constant 0 : i32
    %dma_start3A_33 = tpu.memref_slice %arg4[%multiple_of3A_9, %dma_start3A_32] : memref<65536x128xf32, #tpu.memory_space<hbm>> -> memref<128x128xf32, #tpu.memory_space<hbm>>
    %dma_start3A_34 = arith.constant 0 : i32
    %dma_start3A_35 = tpu.memref_slice %arg4[%multiple_of3A_9, %dma_start3A_34] : memref<65536x128xf32, #tpu.memory_space<hbm>> -> memref<128x128xf32, #tpu.memory_space<hbm>>
    tpu.enqueue_dma source(%arg8 : memref<128x128xf32, #tpu.memory_space<vmem>>) target(%dma_start3A_35 : memref<128x128xf32, #tpu.memory_space<hbm>>) target_semaphore(%arg12 : memref<!tpu.dma_semaphore, #tpu.memory_space<semaphore_mem>>)
    %dma_wait3A_36 = arith.constant 0 : i32
    %dma_wait3A_37 = tpu.memref_slice %arg4[%multiple_of3A_9, %dma_wait3A_36] : memref<65536x128xf32, #tpu.memory_space<hbm>> -> memref<128x128xf32, #tpu.memory_space<hbm>>
    %dma_wait3A_38 = arith.constant 0 : i32
    %dma_wait3A_39 = tpu.memref_slice %arg4[%multiple_of3A_9, %dma_wait3A_38] : memref<65536x128xf32, #tpu.memory_space<hbm>> -> memref<128x128xf32, #tpu.memory_space<hbm>>
    tpu.wait_dma2 semaphore(%arg12 : memref<!tpu.dma_semaphore, #tpu.memory_space<semaphore_mem>>) src(%arg8 : memref<128x128xf32, #tpu.memory_space<vmem>>) dst(%dma_wait3A_39 : memref<128x128xf32, #tpu.memory_space<hbm>>)
    %add3A_40 = arith.constant 384 : i32
    %add3A_41 = arith.addi %mul3A_2, %add3A_40 : i32
    %multiple_of3A_42 = tpu.assume_multiple %add3A_41, 128 : i32
    "tpu.region"() ({
      %run_scoped3A = tpu.sem_alloc : memref<!tpu.dma_semaphore, #tpu.memory_space<semaphore_mem>>
      %dma_start3A_272 = tpu.memref_slice %arg3[%multiple_of3A_42] : memref<65536xi32, #tpu.memory_space<hbm>> -> memref<128xi32, #tpu.memory_space<hbm>>
      %dma_start3A_273 = tpu.memref_slice %arg3[%multiple_of3A_42] : memref<65536xi32, #tpu.memory_space<hbm>> -> memref<128xi32, #tpu.memory_space<hbm>>
      tpu.enqueue_dma source(%dma_start3A_273 : memref<128xi32, #tpu.memory_space<hbm>>) target(%arg6 : memref<128xi32, #tpu.memory_space<vmem>>) target_semaphore(%run_scoped3A : memref<!tpu.dma_semaphore, #tpu.memory_space<semaphore_mem>>)
      %dma_wait3A_274 = tpu.memref_slice %arg3[%multiple_of3A_42] : memref<65536xi32, #tpu.memory_space<hbm>> -> memref<128xi32, #tpu.memory_space<hbm>>
      %dma_wait3A_275 = tpu.memref_slice %arg3[%multiple_of3A_42] : memref<65536xi32, #tpu.memory_space<hbm>> -> memref<128xi32, #tpu.memory_space<hbm>>
      tpu.wait_dma2 semaphore(%run_scoped3A : memref<!tpu.dma_semaphore, #tpu.memory_space<semaphore_mem>>) src(%dma_wait3A_275 : memref<128xi32, #tpu.memory_space<hbm>>) dst(%arg6 : memref<128xi32, #tpu.memory_space<vmem>>)
      tpu.yield
    }) : () -> ()
    %dma_start3A_43 = arith.constant 0 : i32
    %dma_start3A_44 = arith.constant 0 : i32
    %dma_start3A_45 = tpu.memref_slice %arg2[%dma_start3A_43, %dma_start3A_44] : memref<16384x128xf32, #tpu.memory_space<hbm>> -> memref<16384x128xf32, #tpu.memory_space<hbm>>
    tpu.enqueue_indirect_dma source(%dma_start3A_45 : memref<16384x128xf32, #tpu.memory_space<hbm>>) target(%arg8 : memref<128x128xf32, #tpu.memory_space<vmem>>) offsets(%arg6 : memref<128xi32, #tpu.memory_space<vmem>>) semaphore(%arg10 : memref<!tpu.dma_semaphore, #tpu.memory_space<semaphore_mem>>)
    %dma_wait3A_46 = arith.constant 0 : i32
    %dma_wait3A_47 = arith.constant 0 : i32
    %dma_wait3A_48 = tpu.memref_slice %arg2[%dma_wait3A_46, %dma_wait3A_47] : memref<16384x128xf32, #tpu.memory_space<hbm>> -> memref<16384x128xf32, #tpu.memory_space<hbm>>
    tpu.wait_indirect_dma semaphore(%arg9 : memref<!tpu.dma_semaphore, #tpu.memory_space<semaphore_mem>>) src(%dma_wait3A_48 : memref<16384x128xf32, #tpu.memory_space<hbm>>) dst(%arg7 : memref<128x128xf32, #tpu.memory_space<vmem>>)
    %dma_start3A_49 = arith.constant 0 : i32
    %dma_start3A_50 = tpu.memref_slice %arg4[%multiple_of3A_25, %dma_start3A_49] : memref<65536x128xf32, #tpu.memory_space<hbm>> -> memref<128x128xf32, #tpu.memory_space<hbm>>
    %dma_start3A_51 = arith.constant 0 : i32
    %dma_start3A_52 = tpu.memref_slice %arg4[%multiple_of3A_25, %dma_start3A_51] : memref<65536x128xf32, #tpu.memory_space<hbm>> -> memref<128x128xf32, #tpu.memory_space<hbm>>
    tpu.enqueue_dma source(%arg7 : memref<128x128xf32, #tpu.memory_space<vmem>>) target(%dma_start3A_52 : memref<128x128xf32, #tpu.memory_space<hbm>>) target_semaphore(%arg11 : memref<!tpu.dma_semaphore, #tpu.memory_space<semaphore_mem>>)
    %dma_wait3A_53 = arith.constant 0 : i32
    %dma_wait3A_54 = tpu.memref_slice %arg4[%multiple_of3A_25, %dma_wait3A_53] : memref<65536x128xf32, #tpu.memory_space<hbm>> -> memref<128x128xf32, #tpu.memory_space<hbm>>
    %dma_wait3A_55 = arith.constant 0 : i32
    %dma_wait3A_56 = tpu.memref_slice %arg4[%multiple_of3A_25, %dma_wait3A_55] : memref<65536x128xf32, #tpu.memory_space<hbm>> -> memref<128x128xf32, #tpu.memory_space<hbm>>
    tpu.wait_dma2 semaphore(%arg11 : memref<!tpu.dma_semaphore, #tpu.memory_space<semaphore_mem>>) src(%arg7 : memref<128x128xf32, #tpu.memory_space<vmem>>) dst(%dma_wait3A_56 : memref<128x128xf32, #tpu.memory_space<hbm>>)
    %add3A_57 = arith.constant 512 : i32
    %add3A_58 = arith.addi %mul3A_2, %add3A_57 : i32
    %multiple_of3A_59 = tpu.assume_multiple %add3A_58, 128 : i32
    "tpu.region"() ({
      %run_scoped3A = tpu.sem_alloc : memref<!tpu.dma_semaphore, #tpu.memory_space<semaphore_mem>>
      %dma_start3A_272 = tpu.memref_slice %arg3[%multiple_of3A_59] : memref<65536xi32, #tpu.memory_space<hbm>> -> memref<128xi32, #tpu.memory_space<hbm>>
      %dma_start3A_273 = tpu.memref_slice %arg3[%multiple_of3A_59] : memref<65536xi32, #tpu.memory_space<hbm>> -> memref<128xi32, #tpu.memory_space<hbm>>
      tpu.enqueue_dma source(%dma_start3A_273 : memref<128xi32, #tpu.memory_space<hbm>>) target(%arg5 : memref<128xi32, #tpu.memory_space<vmem>>) target_semaphore(%run_scoped3A : memref<!tpu.dma_semaphore, #tpu.memory_space<semaphore_mem>>)
      %dma_wait3A_274 = tpu.memref_slice %arg3[%multiple_of3A_59] : memref<65536xi32, #tpu.memory_space<hbm>> -> memref<128xi32, #tpu.memory_space<hbm>>
      %dma_wait3A_275 = tpu.memref_slice %arg3[%multiple_of3A_59] : memref<65536xi32, #tpu.memory_space<hbm>> -> memref<128xi32, #tpu.memory_space<hbm>>
      tpu.wait_dma2 semaphore(%run_scoped3A : memref<!tpu.dma_semaphore, #tpu.memory_space<semaphore_mem>>) src(%dma_wait3A_275 : memref<128xi32, #tpu.memory_space<hbm>>) dst(%arg5 : memref<128xi32, #tpu.memory_space<vmem>>)
      tpu.yield
    }) : () -> ()
    %dma_start3A_60 = arith.constant 0 : i32
    %dma_start3A_61 = arith.constant 0 : i32
    %dma_start3A_62 = tpu.memref_slice %arg2[%dma_start3A_60, %dma_start3A_61] : memref<16384x128xf32, #tpu.memory_space<hbm>> -> memref<16384x128xf32, #tpu.memory_space<hbm>>
    tpu.enqueue_indirect_dma source(%dma_start3A_62 : memref<16384x128xf32, #tpu.memory_space<hbm>>) target(%arg7 : memref<128x128xf32, #tpu.memory_space<vmem>>) offsets(%arg5 : memref<128xi32, #tpu.memory_space<vmem>>) semaphore(%arg9 : memref<!tpu.dma_semaphore, #tpu.memory_space<semaphore_mem>>)
    %dma_wait3A_63 = arith.constant 0 : i32
    %dma_wait3A_64 = arith.constant 0 : i32
    %dma_wait3A_65 = tpu.memref_slice %arg2[%dma_wait3A_63, %dma_wait3A_64] : memref<16384x128xf32, #tpu.memory_space<hbm>> -> memref<16384x128xf32, #tpu.memory_space<hbm>>
    tpu.wait_indirect_dma semaphore(%arg10 : memref<!tpu.dma_semaphore, #tpu.memory_space<semaphore_mem>>) src(%dma_wait3A_65 : memref<16384x128xf32, #tpu.memory_space<hbm>>) dst(%arg8 : memref<128x128xf32, #tpu.memory_space<vmem>>)
    %dma_start3A_66 = arith.constant 0 : i32
    %dma_start3A_67 = tpu.memref_slice %arg4[%multiple_of3A_42, %dma_start3A_66] : memref<65536x128xf32, #tpu.memory_space<hbm>> -> memref<128x128xf32, #tpu.memory_space<hbm>>
    %dma_start3A_68 = arith.constant 0 : i32
    %dma_start3A_69 = tpu.memref_slice %arg4[%multiple_of3A_42, %dma_start3A_68] : memref<65536x128xf32, #tpu.memory_space<hbm>> -> memref<128x128xf32, #tpu.memory_space<hbm>>
    tpu.enqueue_dma source(%arg8 : memref<128x128xf32, #tpu.memory_space<vmem>>) target(%dma_start3A_69 : memref<128x128xf32, #tpu.memory_space<hbm>>) target_semaphore(%arg12 : memref<!tpu.dma_semaphore, #tpu.memory_space<semaphore_mem>>)
    %dma_wait3A_70 = arith.constant 0 : i32
    %dma_wait3A_71 = tpu.memref_slice %arg4[%multiple_of3A_42, %dma_wait3A_70] : memref<65536x128xf32, #tpu.memory_space<hbm>> -> memref<128x128xf32, #tpu.memory_space<hbm>>
    %dma_wait3A_72 = arith.constant 0 : i32
    %dma_wait3A_73 = tpu.memref_slice %arg4[%multiple_of3A_42, %dma_wait3A_72] : memref<65536x128xf32, #tpu.memory_space<hbm>> -> memref<128x128xf32, #tpu.memory_space<hbm>>
    tpu.wait_dma2 semaphore(%arg12 : memref<!tpu.dma_semaphore, #tpu.memory_space<semaphore_mem>>) src(%arg8 : memref<128x128xf32, #tpu.memory_space<vmem>>) dst(%dma_wait3A_73 : memref<128x128xf32, #tpu.memory_space<hbm>>)
    %add3A_74 = arith.constant 640 : i32
    %add3A_75 = arith.addi %mul3A_2, %add3A_74 : i32
    %multiple_of3A_76 = tpu.assume_multiple %add3A_75, 128 : i32
    "tpu.region"() ({
      %run_scoped3A = tpu.sem_alloc : memref<!tpu.dma_semaphore, #tpu.memory_space<semaphore_mem>>
      %dma_start3A_272 = tpu.memref_slice %arg3[%multiple_of3A_76] : memref<65536xi32, #tpu.memory_space<hbm>> -> memref<128xi32, #tpu.memory_space<hbm>>
      %dma_start3A_273 = tpu.memref_slice %arg3[%multiple_of3A_76] : memref<65536xi32, #tpu.memory_space<hbm>> -> memref<128xi32, #tpu.memory_space<hbm>>
      tpu.enqueue_dma source(%dma_start3A_273 : memref<128xi32, #tpu.memory_space<hbm>>) target(%arg6 : memref<128xi32, #tpu.memory_space<vmem>>) target_semaphore(%run_scoped3A : memref<!tpu.dma_semaphore, #tpu.memory_space<semaphore_mem>>)
      %dma_wait3A_274 = tpu.memref_slice %arg3[%multiple_of3A_76] : memref<65536xi32, #tpu.memory_space<hbm>> -> memref<128xi32, #tpu.memory_space<hbm>>
      %dma_wait3A_275 = tpu.memref_slice %arg3[%multiple_of3A_76] : memref<65536xi32, #tpu.memory_space<hbm>> -> memref<128xi32, #tpu.memory_space<hbm>>
      tpu.wait_dma2 semaphore(%run_scoped3A : memref<!tpu.dma_semaphore, #tpu.memory_space<semaphore_mem>>) src(%dma_wait3A_275 : memref<128xi32, #tpu.memory_space<hbm>>) dst(%arg6 : memref<128xi32, #tpu.memory_space<vmem>>)
      tpu.yield
    }) : () -> ()
    %dma_start3A_77 = arith.constant 0 : i32
    %dma_start3A_78 = arith.constant 0 : i32
    %dma_start3A_79 = tpu.memref_slice %arg2[%dma_start3A_77, %dma_start3A_78] : memref<16384x128xf32, #tpu.memory_space<hbm>> -> memref<16384x128xf32, #tpu.memory_space<hbm>>
    tpu.enqueue_indirect_dma source(%dma_start3A_79 : memref<16384x128xf32, #tpu.memory_space<hbm>>) target(%arg8 : memref<128x128xf32, #tpu.memory_space<vmem>>) offsets(%arg6 : memref<128xi32, #tpu.memory_space<vmem>>) semaphore(%arg10 : memref<!tpu.dma_semaphore, #tpu.memory_space<semaphore_mem>>)
    %dma_wait3A_80 = arith.constant 0 : i32
    %dma_wait3A_81 = arith.constant 0 : i32
    %dma_wait3A_82 = tpu.memref_slice %arg2[%dma_wait3A_80, %dma_wait3A_81] : memref<16384x128xf32, #tpu.memory_space<hbm>> -> memref<16384x128xf32, #tpu.memory_space<hbm>>
    tpu.wait_indirect_dma semaphore(%arg9 : memref<!tpu.dma_semaphore, #tpu.memory_space<semaphore_mem>>) src(%dma_wait3A_82 : memref<16384x128xf32, #tpu.memory_space<hbm>>) dst(%arg7 : memref<128x128xf32, #tpu.memory_space<vmem>>)
    %dma_start3A_83 = arith.constant 0 : i32
    %dma_start3A_84 = tpu.memref_slice %arg4[%multiple_of3A_59, %dma_start3A_83] : memref<65536x128xf32, #tpu.memory_space<hbm>> -> memref<128x128xf32, #tpu.memory_space<hbm>>
    %dma_start3A_85 = arith.constant 0 : i32
    %dma_start3A_86 = tpu.memref_slice %arg4[%multiple_of3A_59, %dma_start3A_85] : memref<65536x128xf32, #tpu.memory_space<hbm>> -> memref<128x128xf32, #tpu.memory_space<hbm>>
    tpu.enqueue_dma source(%arg7 : memref<128x128xf32, #tpu.memory_space<vmem>>) target(%dma_start3A_86 : memref<128x128xf32, #tpu.memory_space<hbm>>) target_semaphore(%arg11 : memref<!tpu.dma_semaphore, #tpu.memory_space<semaphore_mem>>)
    %dma_wait3A_87 = arith.constant 0 : i32
    %dma_wait3A_88 = tpu.memref_slice %arg4[%multiple_of3A_59, %dma_wait3A_87] : memref<65536x128xf32, #tpu.memory_space<hbm>> -> memref<128x128xf32, #tpu.memory_space<hbm>>
    %dma_wait3A_89 = arith.constant 0 : i32
    %dma_wait3A_90 = tpu.memref_slice %arg4[%multiple_of3A_59, %dma_wait3A_89] : memref<65536x128xf32, #tpu.memory_space<hbm>> -> memref<128x128xf32, #tpu.memory_space<hbm>>
    tpu.wait_dma2 semaphore(%arg11 : memref<!tpu.dma_semaphore, #tpu.memory_space<semaphore_mem>>) src(%arg7 : memref<128x128xf32, #tpu.memory_space<vmem>>) dst(%dma_wait3A_90 : memref<128x128xf32, #tpu.memory_space<hbm>>)
    %add3A_91 = arith.constant 768 : i32
    %add3A_92 = arith.addi %mul3A_2, %add3A_91 : i32
    %multiple_of3A_93 = tpu.assume_multiple %add3A_92, 128 : i32
    "tpu.region"() ({
      %run_scoped3A = tpu.sem_alloc : memref<!tpu.dma_semaphore, #tpu.memory_space<semaphore_mem>>
      %dma_start3A_272 = tpu.memref_slice %arg3[%multiple_of3A_93] : memref<65536xi32, #tpu.memory_space<hbm>> -> memref<128xi32, #tpu.memory_space<hbm>>
      %dma_start3A_273 = tpu.memref_slice %arg3[%multiple_of3A_93] : memref<65536xi32, #tpu.memory_space<hbm>> -> memref<128xi32, #tpu.memory_space<hbm>>
      tpu.enqueue_dma source(%dma_start3A_273 : memref<128xi32, #tpu.memory_space<hbm>>) target(%arg5 : memref<128xi32, #tpu.memory_space<vmem>>) target_semaphore(%run_scoped3A : memref<!tpu.dma_semaphore, #tpu.memory_space<semaphore_mem>>)
      %dma_wait3A_274 = tpu.memref_slice %arg3[%multiple_of3A_93] : memref<65536xi32, #tpu.memory_space<hbm>> -> memref<128xi32, #tpu.memory_space<hbm>>
      %dma_wait3A_275 = tpu.memref_slice %arg3[%multiple_of3A_93] : memref<65536xi32, #tpu.memory_space<hbm>> -> memref<128xi32, #tpu.memory_space<hbm>>
      tpu.wait_dma2 semaphore(%run_scoped3A : memref<!tpu.dma_semaphore, #tpu.memory_space<semaphore_mem>>) src(%dma_wait3A_275 : memref<128xi32, #tpu.memory_space<hbm>>) dst(%arg5 : memref<128xi32, #tpu.memory_space<vmem>>)
      tpu.yield
    }) : () -> ()
    %dma_start3A_94 = arith.constant 0 : i32
    %dma_start3A_95 = arith.constant 0 : i32
    %dma_start3A_96 = tpu.memref_slice %arg2[%dma_start3A_94, %dma_start3A_95] : memref<16384x128xf32, #tpu.memory_space<hbm>> -> memref<16384x128xf32, #tpu.memory_space<hbm>>
    tpu.enqueue_indirect_dma source(%dma_start3A_96 : memref<16384x128xf32, #tpu.memory_space<hbm>>) target(%arg7 : memref<128x128xf32, #tpu.memory_space<vmem>>) offsets(%arg5 : memref<128xi32, #tpu.memory_space<vmem>>) semaphore(%arg9 : memref<!tpu.dma_semaphore, #tpu.memory_space<semaphore_mem>>)
    %dma_wait3A_97 = arith.constant 0 : i32
    %dma_wait3A_98 = arith.constant 0 : i32
    %dma_wait3A_99 = tpu.memref_slice %arg2[%dma_wait3A_97, %dma_wait3A_98] : memref<16384x128xf32, #tpu.memory_space<hbm>> -> memref<16384x128xf32, #tpu.memory_space<hbm>>
    tpu.wait_indirect_dma semaphore(%arg10 : memref<!tpu.dma_semaphore, #tpu.memory_space<semaphore_mem>>) src(%dma_wait3A_99 : memref<16384x128xf32, #tpu.memory_space<hbm>>) dst(%arg8 : memref<128x128xf32, #tpu.memory_space<vmem>>)
    %dma_start3A_100 = arith.constant 0 : i32
    %dma_start3A_101 = tpu.memref_slice %arg4[%multiple_of3A_76, %dma_start3A_100] : memref<65536x128xf32, #tpu.memory_space<hbm>> -> memref<128x128xf32, #tpu.memory_space<hbm>>
    %dma_start3A_102 = arith.constant 0 : i32
    %dma_start3A_103 = tpu.memref_slice %arg4[%multiple_of3A_76, %dma_start3A_102] : memref<65536x128xf32, #tpu.memory_space<hbm>> -> memref<128x128xf32, #tpu.memory_space<hbm>>
    tpu.enqueue_dma source(%arg8 : memref<128x128xf32, #tpu.memory_space<vmem>>) target(%dma_start3A_103 : memref<128x128xf32, #tpu.memory_space<hbm>>) target_semaphore(%arg12 : memref<!tpu.dma_semaphore, #tpu.memory_space<semaphore_mem>>)
    %dma_wait3A_104 = arith.constant 0 : i32
    %dma_wait3A_105 = tpu.memref_slice %arg4[%multiple_of3A_76, %dma_wait3A_104] : memref<65536x128xf32, #tpu.memory_space<hbm>> -> memref<128x128xf32, #tpu.memory_space<hbm>>
    %dma_wait3A_106 = arith.constant 0 : i32
    %dma_wait3A_107 = tpu.memref_slice %arg4[%multiple_of3A_76, %dma_wait3A_106] : memref<65536x128xf32, #tpu.memory_space<hbm>> -> memref<128x128xf32, #tpu.memory_space<hbm>>
    tpu.wait_dma2 semaphore(%arg12 : memref<!tpu.dma_semaphore, #tpu.memory_space<semaphore_mem>>) src(%arg8 : memref<128x128xf32, #tpu.memory_space<vmem>>) dst(%dma_wait3A_107 : memref<128x128xf32, #tpu.memory_space<hbm>>)
    %add3A_108 = arith.constant 896 : i32
    %add3A_109 = arith.addi %mul3A_2, %add3A_108 : i32
    %multiple_of3A_110 = tpu.assume_multiple %add3A_109, 128 : i32
    "tpu.region"() ({
      %run_scoped3A = tpu.sem_alloc : memref<!tpu.dma_semaphore, #tpu.memory_space<semaphore_mem>>
      %dma_start3A_272 = tpu.memref_slice %arg3[%multiple_of3A_110] : memref<65536xi32, #tpu.memory_space<hbm>> -> memref<128xi32, #tpu.memory_space<hbm>>
      %dma_start3A_273 = tpu.memref_slice %arg3[%multiple_of3A_110] : memref<65536xi32, #tpu.memory_space<hbm>> -> memref<128xi32, #tpu.memory_space<hbm>>
      tpu.enqueue_dma source(%dma_start3A_273 : memref<128xi32, #tpu.memory_space<hbm>>) target(%arg6 : memref<128xi32, #tpu.memory_space<vmem>>) target_semaphore(%run_scoped3A : memref<!tpu.dma_semaphore, #tpu.memory_space<semaphore_mem>>)
      %dma_wait3A_274 = tpu.memref_slice %arg3[%multiple_of3A_110] : memref<65536xi32, #tpu.memory_space<hbm>> -> memref<128xi32, #tpu.memory_space<hbm>>
      %dma_wait3A_275 = tpu.memref_slice %arg3[%multiple_of3A_110] : memref<65536xi32, #tpu.memory_space<hbm>> -> memref<128xi32, #tpu.memory_space<hbm>>
      tpu.wait_dma2 semaphore(%run_scoped3A : memref<!tpu.dma_semaphore, #tpu.memory_space<semaphore_mem>>) src(%dma_wait3A_275 : memref<128xi32, #tpu.memory_space<hbm>>) dst(%arg6 : memref<128xi32, #tpu.memory_space<vmem>>)
      tpu.yield
    }) : () -> ()
    %dma_start3A_111 = arith.constant 0 : i32
    %dma_start3A_112 = arith.constant 0 : i32
    %dma_start3A_113 = tpu.memref_slice %arg2[%dma_start3A_111, %dma_start3A_112] : memref<16384x128xf32, #tpu.memory_space<hbm>> -> memref<16384x128xf32, #tpu.memory_space<hbm>>
    tpu.enqueue_indirect_dma source(%dma_start3A_113 : memref<16384x128xf32, #tpu.memory_space<hbm>>) target(%arg8 : memref<128x128xf32, #tpu.memory_space<vmem>>) offsets(%arg6 : memref<128xi32, #tpu.memory_space<vmem>>) semaphore(%arg10 : memref<!tpu.dma_semaphore, #tpu.memory_space<semaphore_mem>>)
    %dma_wait3A_114 = arith.constant 0 : i32
    %dma_wait3A_115 = arith.constant 0 : i32
    %dma_wait3A_116 = tpu.memref_slice %arg2[%dma_wait3A_114, %dma_wait3A_115] : memref<16384x128xf32, #tpu.memory_space<hbm>> -> memref<16384x128xf32, #tpu.memory_space<hbm>>
    tpu.wait_indirect_dma semaphore(%arg9 : memref<!tpu.dma_semaphore, #tpu.memory_space<semaphore_mem>>) src(%dma_wait3A_116 : memref<16384x128xf32, #tpu.memory_space<hbm>>) dst(%arg7 : memref<128x128xf32, #tpu.memory_space<vmem>>)
    %dma_start3A_117 = arith.constant 0 : i32
    %dma_start3A_118 = tpu.memref_slice %arg4[%multiple_of3A_93, %dma_start3A_117] : memref<65536x128xf32, #tpu.memory_space<hbm>> -> memref<128x128xf32, #tpu.memory_space<hbm>>
    %dma_start3A_119 = arith.constant 0 : i32
    %dma_start3A_120 = tpu.memref_slice %arg4[%multiple_of3A_93, %dma_start3A_119] : memref<65536x128xf32, #tpu.memory_space<hbm>> -> memref<128x128xf32, #tpu.memory_space<hbm>>
    tpu.enqueue_dma source(%arg7 : memref<128x128xf32, #tpu.memory_space<vmem>>) target(%dma_start3A_120 : memref<128x128xf32, #tpu.memory_space<hbm>>) target_semaphore(%arg11 : memref<!tpu.dma_semaphore, #tpu.memory_space<semaphore_mem>>)
    %dma_wait3A_121 = arith.constant 0 : i32
    %dma_wait3A_122 = tpu.memref_slice %arg4[%multiple_of3A_93, %dma_wait3A_121] : memref<65536x128xf32, #tpu.memory_space<hbm>> -> memref<128x128xf32, #tpu.memory_space<hbm>>
    %dma_wait3A_123 = arith.constant 0 : i32
    %dma_wait3A_124 = tpu.memref_slice %arg4[%multiple_of3A_93, %dma_wait3A_123] : memref<65536x128xf32, #tpu.memory_space<hbm>> -> memref<128x128xf32, #tpu.memory_space<hbm>>
    tpu.wait_dma2 semaphore(%arg11 : memref<!tpu.dma_semaphore, #tpu.memory_space<semaphore_mem>>) src(%arg7 : memref<128x128xf32, #tpu.memory_space<vmem>>) dst(%dma_wait3A_124 : memref<128x128xf32, #tpu.memory_space<hbm>>)
    %add3A_125 = arith.constant 1024 : i32
    %add3A_126 = arith.addi %mul3A_2, %add3A_125 : i32
    %multiple_of3A_127 = tpu.assume_multiple %add3A_126, 128 : i32
    "tpu.region"() ({
      %run_scoped3A = tpu.sem_alloc : memref<!tpu.dma_semaphore, #tpu.memory_space<semaphore_mem>>
      %dma_start3A_272 = tpu.memref_slice %arg3[%multiple_of3A_127] : memref<65536xi32, #tpu.memory_space<hbm>> -> memref<128xi32, #tpu.memory_space<hbm>>
      %dma_start3A_273 = tpu.memref_slice %arg3[%multiple_of3A_127] : memref<65536xi32, #tpu.memory_space<hbm>> -> memref<128xi32, #tpu.memory_space<hbm>>
      tpu.enqueue_dma source(%dma_start3A_273 : memref<128xi32, #tpu.memory_space<hbm>>) target(%arg5 : memref<128xi32, #tpu.memory_space<vmem>>) target_semaphore(%run_scoped3A : memref<!tpu.dma_semaphore, #tpu.memory_space<semaphore_mem>>)
      %dma_wait3A_274 = tpu.memref_slice %arg3[%multiple_of3A_127] : memref<65536xi32, #tpu.memory_space<hbm>> -> memref<128xi32, #tpu.memory_space<hbm>>
      %dma_wait3A_275 = tpu.memref_slice %arg3[%multiple_of3A_127] : memref<65536xi32, #tpu.memory_space<hbm>> -> memref<128xi32, #tpu.memory_space<hbm>>
      tpu.wait_dma2 semaphore(%run_scoped3A : memref<!tpu.dma_semaphore, #tpu.memory_space<semaphore_mem>>) src(%dma_wait3A_275 : memref<128xi32, #tpu.memory_space<hbm>>) dst(%arg5 : memref<128xi32, #tpu.memory_space<vmem>>)
      tpu.yield
    }) : () -> ()
    %dma_start3A_128 = arith.constant 0 : i32
    %dma_start3A_129 = arith.constant 0 : i32
    %dma_start3A_130 = tpu.memref_slice %arg2[%dma_start3A_128, %dma_start3A_129] : memref<16384x128xf32, #tpu.memory_space<hbm>> -> memref<16384x128xf32, #tpu.memory_space<hbm>>
    tpu.enqueue_indirect_dma source(%dma_start3A_130 : memref<16384x128xf32, #tpu.memory_space<hbm>>) target(%arg7 : memref<128x128xf32, #tpu.memory_space<vmem>>) offsets(%arg5 : memref<128xi32, #tpu.memory_space<vmem>>) semaphore(%arg9 : memref<!tpu.dma_semaphore, #tpu.memory_space<semaphore_mem>>)
    %dma_wait3A_131 = arith.constant 0 : i32
    %dma_wait3A_132 = arith.constant 0 : i32
    %dma_wait3A_133 = tpu.memref_slice %arg2[%dma_wait3A_131, %dma_wait3A_132] : memref<16384x128xf32, #tpu.memory_space<hbm>> -> memref<16384x128xf32, #tpu.memory_space<hbm>>
    tpu.wait_indirect_dma semaphore(%arg10 : memref<!tpu.dma_semaphore, #tpu.memory_space<semaphore_mem>>) src(%dma_wait3A_133 : memref<16384x128xf32, #tpu.memory_space<hbm>>) dst(%arg8 : memref<128x128xf32, #tpu.memory_space<vmem>>)
    %dma_start3A_134 = arith.constant 0 : i32
    %dma_start3A_135 = tpu.memref_slice %arg4[%multiple_of3A_110, %dma_start3A_134] : memref<65536x128xf32, #tpu.memory_space<hbm>> -> memref<128x128xf32, #tpu.memory_space<hbm>>
    %dma_start3A_136 = arith.constant 0 : i32
    %dma_start3A_137 = tpu.memref_slice %arg4[%multiple_of3A_110, %dma_start3A_136] : memref<65536x128xf32, #tpu.memory_space<hbm>> -> memref<128x128xf32, #tpu.memory_space<hbm>>
    tpu.enqueue_dma source(%arg8 : memref<128x128xf32, #tpu.memory_space<vmem>>) target(%dma_start3A_137 : memref<128x128xf32, #tpu.memory_space<hbm>>) target_semaphore(%arg12 : memref<!tpu.dma_semaphore, #tpu.memory_space<semaphore_mem>>)
    %dma_wait3A_138 = arith.constant 0 : i32
    %dma_wait3A_139 = tpu.memref_slice %arg4[%multiple_of3A_110, %dma_wait3A_138] : memref<65536x128xf32, #tpu.memory_space<hbm>> -> memref<128x128xf32, #tpu.memory_space<hbm>>
    %dma_wait3A_140 = arith.constant 0 : i32
    %dma_wait3A_141 = tpu.memref_slice %arg4[%multiple_of3A_110, %dma_wait3A_140] : memref<65536x128xf32, #tpu.memory_space<hbm>> -> memref<128x128xf32, #tpu.memory_space<hbm>>
    tpu.wait_dma2 semaphore(%arg12 : memref<!tpu.dma_semaphore, #tpu.memory_space<semaphore_mem>>) src(%arg8 : memref<128x128xf32, #tpu.memory_space<vmem>>) dst(%dma_wait3A_141 : memref<128x128xf32, #tpu.memory_space<hbm>>)
    %add3A_142 = arith.constant 1152 : i32
    %add3A_143 = arith.addi %mul3A_2, %add3A_142 : i32
    %multiple_of3A_144 = tpu.assume_multiple %add3A_143, 128 : i32
    "tpu.region"() ({
      %run_scoped3A = tpu.sem_alloc : memref<!tpu.dma_semaphore, #tpu.memory_space<semaphore_mem>>
      %dma_start3A_272 = tpu.memref_slice %arg3[%multiple_of3A_144] : memref<65536xi32, #tpu.memory_space<hbm>> -> memref<128xi32, #tpu.memory_space<hbm>>
      %dma_start3A_273 = tpu.memref_slice %arg3[%multiple_of3A_144] : memref<65536xi32, #tpu.memory_space<hbm>> -> memref<128xi32, #tpu.memory_space<hbm>>
      tpu.enqueue_dma source(%dma_start3A_273 : memref<128xi32, #tpu.memory_space<hbm>>) target(%arg6 : memref<128xi32, #tpu.memory_space<vmem>>) target_semaphore(%run_scoped3A : memref<!tpu.dma_semaphore, #tpu.memory_space<semaphore_mem>>)
      %dma_wait3A_274 = tpu.memref_slice %arg3[%multiple_of3A_144] : memref<65536xi32, #tpu.memory_space<hbm>> -> memref<128xi32, #tpu.memory_space<hbm>>
      %dma_wait3A_275 = tpu.memref_slice %arg3[%multiple_of3A_144] : memref<65536xi32, #tpu.memory_space<hbm>> -> memref<128xi32, #tpu.memory_space<hbm>>
      tpu.wait_dma2 semaphore(%run_scoped3A : memref<!tpu.dma_semaphore, #tpu.memory_space<semaphore_mem>>) src(%dma_wait3A_275 : memref<128xi32, #tpu.memory_space<hbm>>) dst(%arg6 : memref<128xi32, #tpu.memory_space<vmem>>)
      tpu.yield
    }) : () -> ()
    %dma_start3A_145 = arith.constant 0 : i32
    %dma_start3A_146 = arith.constant 0 : i32
    %dma_start3A_147 = tpu.memref_slice %arg2[%dma_start3A_145, %dma_start3A_146] : memref<16384x128xf32, #tpu.memory_space<hbm>> -> memref<16384x128xf32, #tpu.memory_space<hbm>>
    tpu.enqueue_indirect_dma source(%dma_start3A_147 : memref<16384x128xf32, #tpu.memory_space<hbm>>) target(%arg8 : memref<128x128xf32, #tpu.memory_space<vmem>>) offsets(%arg6 : memref<128xi32, #tpu.memory_space<vmem>>) semaphore(%arg10 : memref<!tpu.dma_semaphore, #tpu.memory_space<semaphore_mem>>)
    %dma_wait3A_148 = arith.constant 0 : i32
    %dma_wait3A_149 = arith.constant 0 : i32
    %dma_wait3A_150 = tpu.memref_slice %arg2[%dma_wait3A_148, %dma_wait3A_149] : memref<16384x128xf32, #tpu.memory_space<hbm>> -> memref<16384x128xf32, #tpu.memory_space<hbm>>
    tpu.wait_indirect_dma semaphore(%arg9 : memref<!tpu.dma_semaphore, #tpu.memory_space<semaphore_mem>>) src(%dma_wait3A_150 : memref<16384x128xf32, #tpu.memory_space<hbm>>) dst(%arg7 : memref<128x128xf32, #tpu.memory_space<vmem>>)
    %dma_start3A_151 = arith.constant 0 : i32
    %dma_start3A_152 = tpu.memref_slice %arg4[%multiple_of3A_127, %dma_start3A_151] : memref<65536x128xf32, #tpu.memory_space<hbm>> -> memref<128x128xf32, #tpu.memory_space<hbm>>
    %dma_start3A_153 = arith.constant 0 : i32
    %dma_start3A_154 = tpu.memref_slice %arg4[%multiple_of3A_127, %dma_start3A_153] : memref<65536x128xf32, #tpu.memory_space<hbm>> -> memref<128x128xf32, #tpu.memory_space<hbm>>
    tpu.enqueue_dma source(%arg7 : memref<128x128xf32, #tpu.memory_space<vmem>>) target(%dma_start3A_154 : memref<128x128xf32, #tpu.memory_space<hbm>>) target_semaphore(%arg11 : memref<!tpu.dma_semaphore, #tpu.memory_space<semaphore_mem>>)
    %dma_wait3A_155 = arith.constant 0 : i32
    %dma_wait3A_156 = tpu.memref_slice %arg4[%multiple_of3A_127, %dma_wait3A_155] : memref<65536x128xf32, #tpu.memory_space<hbm>> -> memref<128x128xf32, #tpu.memory_space<hbm>>
    %dma_wait3A_157 = arith.constant 0 : i32
    %dma_wait3A_158 = tpu.memref_slice %arg4[%multiple_of3A_127, %dma_wait3A_157] : memref<65536x128xf32, #tpu.memory_space<hbm>> -> memref<128x128xf32, #tpu.memory_space<hbm>>
    tpu.wait_dma2 semaphore(%arg11 : memref<!tpu.dma_semaphore, #tpu.memory_space<semaphore_mem>>) src(%arg7 : memref<128x128xf32, #tpu.memory_space<vmem>>) dst(%dma_wait3A_158 : memref<128x128xf32, #tpu.memory_space<hbm>>)
    %add3A_159 = arith.constant 1280 : i32
    %add3A_160 = arith.addi %mul3A_2, %add3A_159 : i32
    %multiple_of3A_161 = tpu.assume_multiple %add3A_160, 128 : i32
    "tpu.region"() ({
      %run_scoped3A = tpu.sem_alloc : memref<!tpu.dma_semaphore, #tpu.memory_space<semaphore_mem>>
      %dma_start3A_272 = tpu.memref_slice %arg3[%multiple_of3A_161] : memref<65536xi32, #tpu.memory_space<hbm>> -> memref<128xi32, #tpu.memory_space<hbm>>
      %dma_start3A_273 = tpu.memref_slice %arg3[%multiple_of3A_161] : memref<65536xi32, #tpu.memory_space<hbm>> -> memref<128xi32, #tpu.memory_space<hbm>>
      tpu.enqueue_dma source(%dma_start3A_273 : memref<128xi32, #tpu.memory_space<hbm>>) target(%arg5 : memref<128xi32, #tpu.memory_space<vmem>>) target_semaphore(%run_scoped3A : memref<!tpu.dma_semaphore, #tpu.memory_space<semaphore_mem>>)
      %dma_wait3A_274 = tpu.memref_slice %arg3[%multiple_of3A_161] : memref<65536xi32, #tpu.memory_space<hbm>> -> memref<128xi32, #tpu.memory_space<hbm>>
      %dma_wait3A_275 = tpu.memref_slice %arg3[%multiple_of3A_161] : memref<65536xi32, #tpu.memory_space<hbm>> -> memref<128xi32, #tpu.memory_space<hbm>>
      tpu.wait_dma2 semaphore(%run_scoped3A : memref<!tpu.dma_semaphore, #tpu.memory_space<semaphore_mem>>) src(%dma_wait3A_275 : memref<128xi32, #tpu.memory_space<hbm>>) dst(%arg5 : memref<128xi32, #tpu.memory_space<vmem>>)
      tpu.yield
    }) : () -> ()
    %dma_start3A_162 = arith.constant 0 : i32
    %dma_start3A_163 = arith.constant 0 : i32
    %dma_start3A_164 = tpu.memref_slice %arg2[%dma_start3A_162, %dma_start3A_163] : memref<16384x128xf32, #tpu.memory_space<hbm>> -> memref<16384x128xf32, #tpu.memory_space<hbm>>
    tpu.enqueue_indirect_dma source(%dma_start3A_164 : memref<16384x128xf32, #tpu.memory_space<hbm>>) target(%arg7 : memref<128x128xf32, #tpu.memory_space<vmem>>) offsets(%arg5 : memref<128xi32, #tpu.memory_space<vmem>>) semaphore(%arg9 : memref<!tpu.dma_semaphore, #tpu.memory_space<semaphore_mem>>)
    %dma_wait3A_165 = arith.constant 0 : i32
    %dma_wait3A_166 = arith.constant 0 : i32
    %dma_wait3A_167 = tpu.memref_slice %arg2[%dma_wait3A_165, %dma_wait3A_166] : memref<16384x128xf32, #tpu.memory_space<hbm>> -> memref<16384x128xf32, #tpu.memory_space<hbm>>
    tpu.wait_indirect_dma semaphore(%arg10 : memref<!tpu.dma_semaphore, #tpu.memory_space<semaphore_mem>>) src(%dma_wait3A_167 : memref<16384x128xf32, #tpu.memory_space<hbm>>) dst(%arg8 : memref<128x128xf32, #tpu.memory_space<vmem>>)
    %dma_start3A_168 = arith.constant 0 : i32
    %dma_start3A_169 = tpu.memref_slice %arg4[%multiple_of3A_144, %dma_start3A_168] : memref<65536x128xf32, #tpu.memory_space<hbm>> -> memref<128x128xf32, #tpu.memory_space<hbm>>
    %dma_start3A_170 = arith.constant 0 : i32
    %dma_start3A_171 = tpu.memref_slice %arg4[%multiple_of3A_144, %dma_start3A_170] : memref<65536x128xf32, #tpu.memory_space<hbm>> -> memref<128x128xf32, #tpu.memory_space<hbm>>
    tpu.enqueue_dma source(%arg8 : memref<128x128xf32, #tpu.memory_space<vmem>>) target(%dma_start3A_171 : memref<128x128xf32, #tpu.memory_space<hbm>>) target_semaphore(%arg12 : memref<!tpu.dma_semaphore, #tpu.memory_space<semaphore_mem>>)
    %dma_wait3A_172 = arith.constant 0 : i32
    %dma_wait3A_173 = tpu.memref_slice %arg4[%multiple_of3A_144, %dma_wait3A_172] : memref<65536x128xf32, #tpu.memory_space<hbm>> -> memref<128x128xf32, #tpu.memory_space<hbm>>
    %dma_wait3A_174 = arith.constant 0 : i32
    %dma_wait3A_175 = tpu.memref_slice %arg4[%multiple_of3A_144, %dma_wait3A_174] : memref<65536x128xf32, #tpu.memory_space<hbm>> -> memref<128x128xf32, #tpu.memory_space<hbm>>
    tpu.wait_dma2 semaphore(%arg12 : memref<!tpu.dma_semaphore, #tpu.memory_space<semaphore_mem>>) src(%arg8 : memref<128x128xf32, #tpu.memory_space<vmem>>) dst(%dma_wait3A_175 : memref<128x128xf32, #tpu.memory_space<hbm>>)
    %add3A_176 = arith.constant 1408 : i32
    %add3A_177 = arith.addi %mul3A_2, %add3A_176 : i32
    %multiple_of3A_178 = tpu.assume_multiple %add3A_177, 128 : i32
    "tpu.region"() ({
      %run_scoped3A = tpu.sem_alloc : memref<!tpu.dma_semaphore, #tpu.memory_space<semaphore_mem>>
      %dma_start3A_272 = tpu.memref_slice %arg3[%multiple_of3A_178] : memref<65536xi32, #tpu.memory_space<hbm>> -> memref<128xi32, #tpu.memory_space<hbm>>
      %dma_start3A_273 = tpu.memref_slice %arg3[%multiple_of3A_178] : memref<65536xi32, #tpu.memory_space<hbm>> -> memref<128xi32, #tpu.memory_space<hbm>>
      tpu.enqueue_dma source(%dma_start3A_273 : memref<128xi32, #tpu.memory_space<hbm>>) target(%arg6 : memref<128xi32, #tpu.memory_space<vmem>>) target_semaphore(%run_scoped3A : memref<!tpu.dma_semaphore, #tpu.memory_space<semaphore_mem>>)
      %dma_wait3A_274 = tpu.memref_slice %arg3[%multiple_of3A_178] : memref<65536xi32, #tpu.memory_space<hbm>> -> memref<128xi32, #tpu.memory_space<hbm>>
      %dma_wait3A_275 = tpu.memref_slice %arg3[%multiple_of3A_178] : memref<65536xi32, #tpu.memory_space<hbm>> -> memref<128xi32, #tpu.memory_space<hbm>>
      tpu.wait_dma2 semaphore(%run_scoped3A : memref<!tpu.dma_semaphore, #tpu.memory_space<semaphore_mem>>) src(%dma_wait3A_275 : memref<128xi32, #tpu.memory_space<hbm>>) dst(%arg6 : memref<128xi32, #tpu.memory_space<vmem>>)
      tpu.yield
    }) : () -> ()
    %dma_start3A_179 = arith.constant 0 : i32
    %dma_start3A_180 = arith.constant 0 : i32
    %dma_start3A_181 = tpu.memref_slice %arg2[%dma_start3A_179, %dma_start3A_180] : memref<16384x128xf32, #tpu.memory_space<hbm>> -> memref<16384x128xf32, #tpu.memory_space<hbm>>
    tpu.enqueue_indirect_dma source(%dma_start3A_181 : memref<16384x128xf32, #tpu.memory_space<hbm>>) target(%arg8 : memref<128x128xf32, #tpu.memory_space<vmem>>) offsets(%arg6 : memref<128xi32, #tpu.memory_space<vmem>>) semaphore(%arg10 : memref<!tpu.dma_semaphore, #tpu.memory_space<semaphore_mem>>)
    %dma_wait3A_182 = arith.constant 0 : i32
    %dma_wait3A_183 = arith.constant 0 : i32
    %dma_wait3A_184 = tpu.memref_slice %arg2[%dma_wait3A_182, %dma_wait3A_183] : memref<16384x128xf32, #tpu.memory_space<hbm>> -> memref<16384x128xf32, #tpu.memory_space<hbm>>
    tpu.wait_indirect_dma semaphore(%arg9 : memref<!tpu.dma_semaphore, #tpu.memory_space<semaphore_mem>>) src(%dma_wait3A_184 : memref<16384x128xf32, #tpu.memory_space<hbm>>) dst(%arg7 : memref<128x128xf32, #tpu.memory_space<vmem>>)
    %dma_start3A_185 = arith.constant 0 : i32
    %dma_start3A_186 = tpu.memref_slice %arg4[%multiple_of3A_161, %dma_start3A_185] : memref<65536x128xf32, #tpu.memory_space<hbm>> -> memref<128x128xf32, #tpu.memory_space<hbm>>
    %dma_start3A_187 = arith.constant 0 : i32
    %dma_start3A_188 = tpu.memref_slice %arg4[%multiple_of3A_161, %dma_start3A_187] : memref<65536x128xf32, #tpu.memory_space<hbm>> -> memref<128x128xf32, #tpu.memory_space<hbm>>
    tpu.enqueue_dma source(%arg7 : memref<128x128xf32, #tpu.memory_space<vmem>>) target(%dma_start3A_188 : memref<128x128xf32, #tpu.memory_space<hbm>>) target_semaphore(%arg11 : memref<!tpu.dma_semaphore, #tpu.memory_space<semaphore_mem>>)
    %dma_wait3A_189 = arith.constant 0 : i32
    %dma_wait3A_190 = tpu.memref_slice %arg4[%multiple_of3A_161, %dma_wait3A_189] : memref<65536x128xf32, #tpu.memory_space<hbm>> -> memref<128x128xf32, #tpu.memory_space<hbm>>
    %dma_wait3A_191 = arith.constant 0 : i32
    %dma_wait3A_192 = tpu.memref_slice %arg4[%multiple_of3A_161, %dma_wait3A_191] : memref<65536x128xf32, #tpu.memory_space<hbm>> -> memref<128x128xf32, #tpu.memory_space<hbm>>
    tpu.wait_dma2 semaphore(%arg11 : memref<!tpu.dma_semaphore, #tpu.memory_space<semaphore_mem>>) src(%arg7 : memref<128x128xf32, #tpu.memory_space<vmem>>) dst(%dma_wait3A_192 : memref<128x128xf32, #tpu.memory_space<hbm>>)
    %add3A_193 = arith.constant 1536 : i32
    %add3A_194 = arith.addi %mul3A_2, %add3A_193 : i32
    %multiple_of3A_195 = tpu.assume_multiple %add3A_194, 128 : i32
    "tpu.region"() ({
      %run_scoped3A = tpu.sem_alloc : memref<!tpu.dma_semaphore, #tpu.memory_space<semaphore_mem>>
      %dma_start3A_272 = tpu.memref_slice %arg3[%multiple_of3A_195] : memref<65536xi32, #tpu.memory_space<hbm>> -> memref<128xi32, #tpu.memory_space<hbm>>
      %dma_start3A_273 = tpu.memref_slice %arg3[%multiple_of3A_195] : memref<65536xi32, #tpu.memory_space<hbm>> -> memref<128xi32, #tpu.memory_space<hbm>>
      tpu.enqueue_dma source(%dma_start3A_273 : memref<128xi32, #tpu.memory_space<hbm>>) target(%arg5 : memref<128xi32, #tpu.memory_space<vmem>>) target_semaphore(%run_scoped3A : memref<!tpu.dma_semaphore, #tpu.memory_space<semaphore_mem>>)
      %dma_wait3A_274 = tpu.memref_slice %arg3[%multiple_of3A_195] : memref<65536xi32, #tpu.memory_space<hbm>> -> memref<128xi32, #tpu.memory_space<hbm>>
      %dma_wait3A_275 = tpu.memref_slice %arg3[%multiple_of3A_195] : memref<65536xi32, #tpu.memory_space<hbm>> -> memref<128xi32, #tpu.memory_space<hbm>>
      tpu.wait_dma2 semaphore(%run_scoped3A : memref<!tpu.dma_semaphore, #tpu.memory_space<semaphore_mem>>) src(%dma_wait3A_275 : memref<128xi32, #tpu.memory_space<hbm>>) dst(%arg5 : memref<128xi32, #tpu.memory_space<vmem>>)
      tpu.yield
    }) : () -> ()
    %dma_start3A_196 = arith.constant 0 : i32
    %dma_start3A_197 = arith.constant 0 : i32
    %dma_start3A_198 = tpu.memref_slice %arg2[%dma_start3A_196, %dma_start3A_197] : memref<16384x128xf32, #tpu.memory_space<hbm>> -> memref<16384x128xf32, #tpu.memory_space<hbm>>
    tpu.enqueue_indirect_dma source(%dma_start3A_198 : memref<16384x128xf32, #tpu.memory_space<hbm>>) target(%arg7 : memref<128x128xf32, #tpu.memory_space<vmem>>) offsets(%arg5 : memref<128xi32, #tpu.memory_space<vmem>>) semaphore(%arg9 : memref<!tpu.dma_semaphore, #tpu.memory_space<semaphore_mem>>)
    %dma_wait3A_199 = arith.constant 0 : i32
    %dma_wait3A_200 = arith.constant 0 : i32
    %dma_wait3A_201 = tpu.memref_slice %arg2[%dma_wait3A_199, %dma_wait3A_200] : memref<16384x128xf32, #tpu.memory_space<hbm>> -> memref<16384x128xf32, #tpu.memory_space<hbm>>
    tpu.wait_indirect_dma semaphore(%arg10 : memref<!tpu.dma_semaphore, #tpu.memory_space<semaphore_mem>>) src(%dma_wait3A_201 : memref<16384x128xf32, #tpu.memory_space<hbm>>) dst(%arg8 : memref<128x128xf32, #tpu.memory_space<vmem>>)
    %dma_start3A_202 = arith.constant 0 : i32
    %dma_start3A_203 = tpu.memref_slice %arg4[%multiple_of3A_178, %dma_start3A_202] : memref<65536x128xf32, #tpu.memory_space<hbm>> -> memref<128x128xf32, #tpu.memory_space<hbm>>
    %dma_start3A_204 = arith.constant 0 : i32
    %dma_start3A_205 = tpu.memref_slice %arg4[%multiple_of3A_178, %dma_start3A_204] : memref<65536x128xf32, #tpu.memory_space<hbm>> -> memref<128x128xf32, #tpu.memory_space<hbm>>
    tpu.enqueue_dma source(%arg8 : memref<128x128xf32, #tpu.memory_space<vmem>>) target(%dma_start3A_205 : memref<128x128xf32, #tpu.memory_space<hbm>>) target_semaphore(%arg12 : memref<!tpu.dma_semaphore, #tpu.memory_space<semaphore_mem>>)
    %dma_wait3A_206 = arith.constant 0 : i32
    %dma_wait3A_207 = tpu.memref_slice %arg4[%multiple_of3A_178, %dma_wait3A_206] : memref<65536x128xf32, #tpu.memory_space<hbm>> -> memref<128x128xf32, #tpu.memory_space<hbm>>
    %dma_wait3A_208 = arith.constant 0 : i32
    %dma_wait3A_209 = tpu.memref_slice %arg4[%multiple_of3A_178, %dma_wait3A_208] : memref<65536x128xf32, #tpu.memory_space<hbm>> -> memref<128x128xf32, #tpu.memory_space<hbm>>
    tpu.wait_dma2 semaphore(%arg12 : memref<!tpu.dma_semaphore, #tpu.memory_space<semaphore_mem>>) src(%arg8 : memref<128x128xf32, #tpu.memory_space<vmem>>) dst(%dma_wait3A_209 : memref<128x128xf32, #tpu.memory_space<hbm>>)
    %add3A_210 = arith.constant 1664 : i32
    %add3A_211 = arith.addi %mul3A_2, %add3A_210 : i32
    %multiple_of3A_212 = tpu.assume_multiple %add3A_211, 128 : i32
    "tpu.region"() ({
      %run_scoped3A = tpu.sem_alloc : memref<!tpu.dma_semaphore, #tpu.memory_space<semaphore_mem>>
      %dma_start3A_272 = tpu.memref_slice %arg3[%multiple_of3A_212] : memref<65536xi32, #tpu.memory_space<hbm>> -> memref<128xi32, #tpu.memory_space<hbm>>
      %dma_start3A_273 = tpu.memref_slice %arg3[%multiple_of3A_212] : memref<65536xi32, #tpu.memory_space<hbm>> -> memref<128xi32, #tpu.memory_space<hbm>>
      tpu.enqueue_dma source(%dma_start3A_273 : memref<128xi32, #tpu.memory_space<hbm>>) target(%arg6 : memref<128xi32, #tpu.memory_space<vmem>>) target_semaphore(%run_scoped3A : memref<!tpu.dma_semaphore, #tpu.memory_space<semaphore_mem>>)
      %dma_wait3A_274 = tpu.memref_slice %arg3[%multiple_of3A_212] : memref<65536xi32, #tpu.memory_space<hbm>> -> memref<128xi32, #tpu.memory_space<hbm>>
      %dma_wait3A_275 = tpu.memref_slice %arg3[%multiple_of3A_212] : memref<65536xi32, #tpu.memory_space<hbm>> -> memref<128xi32, #tpu.memory_space<hbm>>
      tpu.wait_dma2 semaphore(%run_scoped3A : memref<!tpu.dma_semaphore, #tpu.memory_space<semaphore_mem>>) src(%dma_wait3A_275 : memref<128xi32, #tpu.memory_space<hbm>>) dst(%arg6 : memref<128xi32, #tpu.memory_space<vmem>>)
      tpu.yield
    }) : () -> ()
    %dma_start3A_213 = arith.constant 0 : i32
    %dma_start3A_214 = arith.constant 0 : i32
    %dma_start3A_215 = tpu.memref_slice %arg2[%dma_start3A_213, %dma_start3A_214] : memref<16384x128xf32, #tpu.memory_space<hbm>> -> memref<16384x128xf32, #tpu.memory_space<hbm>>
    tpu.enqueue_indirect_dma source(%dma_start3A_215 : memref<16384x128xf32, #tpu.memory_space<hbm>>) target(%arg8 : memref<128x128xf32, #tpu.memory_space<vmem>>) offsets(%arg6 : memref<128xi32, #tpu.memory_space<vmem>>) semaphore(%arg10 : memref<!tpu.dma_semaphore, #tpu.memory_space<semaphore_mem>>)
    %dma_wait3A_216 = arith.constant 0 : i32
    %dma_wait3A_217 = arith.constant 0 : i32
    %dma_wait3A_218 = tpu.memref_slice %arg2[%dma_wait3A_216, %dma_wait3A_217] : memref<16384x128xf32, #tpu.memory_space<hbm>> -> memref<16384x128xf32, #tpu.memory_space<hbm>>
    tpu.wait_indirect_dma semaphore(%arg9 : memref<!tpu.dma_semaphore, #tpu.memory_space<semaphore_mem>>) src(%dma_wait3A_218 : memref<16384x128xf32, #tpu.memory_space<hbm>>) dst(%arg7 : memref<128x128xf32, #tpu.memory_space<vmem>>)
    %dma_start3A_219 = arith.constant 0 : i32
    %dma_start3A_220 = tpu.memref_slice %arg4[%multiple_of3A_195, %dma_start3A_219] : memref<65536x128xf32, #tpu.memory_space<hbm>> -> memref<128x128xf32, #tpu.memory_space<hbm>>
    %dma_start3A_221 = arith.constant 0 : i32
    %dma_start3A_222 = tpu.memref_slice %arg4[%multiple_of3A_195, %dma_start3A_221] : memref<65536x128xf32, #tpu.memory_space<hbm>> -> memref<128x128xf32, #tpu.memory_space<hbm>>
    tpu.enqueue_dma source(%arg7 : memref<128x128xf32, #tpu.memory_space<vmem>>) target(%dma_start3A_222 : memref<128x128xf32, #tpu.memory_space<hbm>>) target_semaphore(%arg11 : memref<!tpu.dma_semaphore, #tpu.memory_space<semaphore_mem>>)
    %dma_wait3A_223 = arith.constant 0 : i32
    %dma_wait3A_224 = tpu.memref_slice %arg4[%multiple_of3A_195, %dma_wait3A_223] : memref<65536x128xf32, #tpu.memory_space<hbm>> -> memref<128x128xf32, #tpu.memory_space<hbm>>
    %dma_wait3A_225 = arith.constant 0 : i32
    %dma_wait3A_226 = tpu.memref_slice %arg4[%multiple_of3A_195, %dma_wait3A_225] : memref<65536x128xf32, #tpu.memory_space<hbm>> -> memref<128x128xf32, #tpu.memory_space<hbm>>
    tpu.wait_dma2 semaphore(%arg11 : memref<!tpu.dma_semaphore, #tpu.memory_space<semaphore_mem>>) src(%arg7 : memref<128x128xf32, #tpu.memory_space<vmem>>) dst(%dma_wait3A_226 : memref<128x128xf32, #tpu.memory_space<hbm>>)
    %add3A_227 = arith.constant 1792 : i32
    %add3A_228 = arith.addi %mul3A_2, %add3A_227 : i32
    %multiple_of3A_229 = tpu.assume_multiple %add3A_228, 128 : i32
    "tpu.region"() ({
      %run_scoped3A = tpu.sem_alloc : memref<!tpu.dma_semaphore, #tpu.memory_space<semaphore_mem>>
      %dma_start3A_272 = tpu.memref_slice %arg3[%multiple_of3A_229] : memref<65536xi32, #tpu.memory_space<hbm>> -> memref<128xi32, #tpu.memory_space<hbm>>
      %dma_start3A_273 = tpu.memref_slice %arg3[%multiple_of3A_229] : memref<65536xi32, #tpu.memory_space<hbm>> -> memref<128xi32, #tpu.memory_space<hbm>>
      tpu.enqueue_dma source(%dma_start3A_273 : memref<128xi32, #tpu.memory_space<hbm>>) target(%arg5 : memref<128xi32, #tpu.memory_space<vmem>>) target_semaphore(%run_scoped3A : memref<!tpu.dma_semaphore, #tpu.memory_space<semaphore_mem>>)
      %dma_wait3A_274 = tpu.memref_slice %arg3[%multiple_of3A_229] : memref<65536xi32, #tpu.memory_space<hbm>> -> memref<128xi32, #tpu.memory_space<hbm>>
      %dma_wait3A_275 = tpu.memref_slice %arg3[%multiple_of3A_229] : memref<65536xi32, #tpu.memory_space<hbm>> -> memref<128xi32, #tpu.memory_space<hbm>>
      tpu.wait_dma2 semaphore(%run_scoped3A : memref<!tpu.dma_semaphore, #tpu.memory_space<semaphore_mem>>) src(%dma_wait3A_275 : memref<128xi32, #tpu.memory_space<hbm>>) dst(%arg5 : memref<128xi32, #tpu.memory_space<vmem>>)
      tpu.yield
    }) : () -> ()
    %dma_start3A_230 = arith.constant 0 : i32
    %dma_start3A_231 = arith.constant 0 : i32
    %dma_start3A_232 = tpu.memref_slice %arg2[%dma_start3A_230, %dma_start3A_231] : memref<16384x128xf32, #tpu.memory_space<hbm>> -> memref<16384x128xf32, #tpu.memory_space<hbm>>
    tpu.enqueue_indirect_dma source(%dma_start3A_232 : memref<16384x128xf32, #tpu.memory_space<hbm>>) target(%arg7 : memref<128x128xf32, #tpu.memory_space<vmem>>) offsets(%arg5 : memref<128xi32, #tpu.memory_space<vmem>>) semaphore(%arg9 : memref<!tpu.dma_semaphore, #tpu.memory_space<semaphore_mem>>)
    %dma_wait3A_233 = arith.constant 0 : i32
    %dma_wait3A_234 = arith.constant 0 : i32
    %dma_wait3A_235 = tpu.memref_slice %arg2[%dma_wait3A_233, %dma_wait3A_234] : memref<16384x128xf32, #tpu.memory_space<hbm>> -> memref<16384x128xf32, #tpu.memory_space<hbm>>
    tpu.wait_indirect_dma semaphore(%arg10 : memref<!tpu.dma_semaphore, #tpu.memory_space<semaphore_mem>>) src(%dma_wait3A_235 : memref<16384x128xf32, #tpu.memory_space<hbm>>) dst(%arg8 : memref<128x128xf32, #tpu.memory_space<vmem>>)
    %dma_start3A_236 = arith.constant 0 : i32
    %dma_start3A_237 = tpu.memref_slice %arg4[%multiple_of3A_212, %dma_start3A_236] : memref<65536x128xf32, #tpu.memory_space<hbm>> -> memref<128x128xf32, #tpu.memory_space<hbm>>
    %dma_start3A_238 = arith.constant 0 : i32
    %dma_start3A_239 = tpu.memref_slice %arg4[%multiple_of3A_212, %dma_start3A_238] : memref<65536x128xf32, #tpu.memory_space<hbm>> -> memref<128x128xf32, #tpu.memory_space<hbm>>
    tpu.enqueue_dma source(%arg8 : memref<128x128xf32, #tpu.memory_space<vmem>>) target(%dma_start3A_239 : memref<128x128xf32, #tpu.memory_space<hbm>>) target_semaphore(%arg12 : memref<!tpu.dma_semaphore, #tpu.memory_space<semaphore_mem>>)
    %dma_wait3A_240 = arith.constant 0 : i32
    %dma_wait3A_241 = tpu.memref_slice %arg4[%multiple_of3A_212, %dma_wait3A_240] : memref<65536x128xf32, #tpu.memory_space<hbm>> -> memref<128x128xf32, #tpu.memory_space<hbm>>
    %dma_wait3A_242 = arith.constant 0 : i32
    %dma_wait3A_243 = tpu.memref_slice %arg4[%multiple_of3A_212, %dma_wait3A_242] : memref<65536x128xf32, #tpu.memory_space<hbm>> -> memref<128x128xf32, #tpu.memory_space<hbm>>
    tpu.wait_dma2 semaphore(%arg12 : memref<!tpu.dma_semaphore, #tpu.memory_space<semaphore_mem>>) src(%arg8 : memref<128x128xf32, #tpu.memory_space<vmem>>) dst(%dma_wait3A_243 : memref<128x128xf32, #tpu.memory_space<hbm>>)
    %add3A_244 = arith.constant 1920 : i32
    %add3A_245 = arith.addi %mul3A_2, %add3A_244 : i32
    %multiple_of3A_246 = tpu.assume_multiple %add3A_245, 128 : i32
    "tpu.region"() ({
      %run_scoped3A = tpu.sem_alloc : memref<!tpu.dma_semaphore, #tpu.memory_space<semaphore_mem>>
      %dma_start3A_272 = tpu.memref_slice %arg3[%multiple_of3A_246] : memref<65536xi32, #tpu.memory_space<hbm>> -> memref<128xi32, #tpu.memory_space<hbm>>
      %dma_start3A_273 = tpu.memref_slice %arg3[%multiple_of3A_246] : memref<65536xi32, #tpu.memory_space<hbm>> -> memref<128xi32, #tpu.memory_space<hbm>>
      tpu.enqueue_dma source(%dma_start3A_273 : memref<128xi32, #tpu.memory_space<hbm>>) target(%arg6 : memref<128xi32, #tpu.memory_space<vmem>>) target_semaphore(%run_scoped3A : memref<!tpu.dma_semaphore, #tpu.memory_space<semaphore_mem>>)
      %dma_wait3A_274 = tpu.memref_slice %arg3[%multiple_of3A_246] : memref<65536xi32, #tpu.memory_space<hbm>> -> memref<128xi32, #tpu.memory_space<hbm>>
      %dma_wait3A_275 = tpu.memref_slice %arg3[%multiple_of3A_246] : memref<65536xi32, #tpu.memory_space<hbm>> -> memref<128xi32, #tpu.memory_space<hbm>>
      tpu.wait_dma2 semaphore(%run_scoped3A : memref<!tpu.dma_semaphore, #tpu.memory_space<semaphore_mem>>) src(%dma_wait3A_275 : memref<128xi32, #tpu.memory_space<hbm>>) dst(%arg6 : memref<128xi32, #tpu.memory_space<vmem>>)
      tpu.yield
    }) : () -> ()
    %dma_start3A_247 = arith.constant 0 : i32
    %dma_start3A_248 = arith.constant 0 : i32
    %dma_start3A_249 = tpu.memref_slice %arg2[%dma_start3A_247, %dma_start3A_248] : memref<16384x128xf32, #tpu.memory_space<hbm>> -> memref<16384x128xf32, #tpu.memory_space<hbm>>
    tpu.enqueue_indirect_dma source(%dma_start3A_249 : memref<16384x128xf32, #tpu.memory_space<hbm>>) target(%arg8 : memref<128x128xf32, #tpu.memory_space<vmem>>) offsets(%arg6 : memref<128xi32, #tpu.memory_space<vmem>>) semaphore(%arg10 : memref<!tpu.dma_semaphore, #tpu.memory_space<semaphore_mem>>)
    %dma_wait3A_250 = arith.constant 0 : i32
    %dma_wait3A_251 = arith.constant 0 : i32
    %dma_wait3A_252 = tpu.memref_slice %arg2[%dma_wait3A_250, %dma_wait3A_251] : memref<16384x128xf32, #tpu.memory_space<hbm>> -> memref<16384x128xf32, #tpu.memory_space<hbm>>
    tpu.wait_indirect_dma semaphore(%arg9 : memref<!tpu.dma_semaphore, #tpu.memory_space<semaphore_mem>>) src(%dma_wait3A_252 : memref<16384x128xf32, #tpu.memory_space<hbm>>) dst(%arg7 : memref<128x128xf32, #tpu.memory_space<vmem>>)
    %dma_start3A_253 = arith.constant 0 : i32
    %dma_start3A_254 = tpu.memref_slice %arg4[%multiple_of3A_229, %dma_start3A_253] : memref<65536x128xf32, #tpu.memory_space<hbm>> -> memref<128x128xf32, #tpu.memory_space<hbm>>
    %dma_start3A_255 = arith.constant 0 : i32
    %dma_start3A_256 = tpu.memref_slice %arg4[%multiple_of3A_229, %dma_start3A_255] : memref<65536x128xf32, #tpu.memory_space<hbm>> -> memref<128x128xf32, #tpu.memory_space<hbm>>
    tpu.enqueue_dma source(%arg7 : memref<128x128xf32, #tpu.memory_space<vmem>>) target(%dma_start3A_256 : memref<128x128xf32, #tpu.memory_space<hbm>>) target_semaphore(%arg11 : memref<!tpu.dma_semaphore, #tpu.memory_space<semaphore_mem>>)
    %dma_wait3A_257 = arith.constant 0 : i32
    %dma_wait3A_258 = arith.constant 0 : i32
    %dma_wait3A_259 = tpu.memref_slice %arg2[%dma_wait3A_257, %dma_wait3A_258] : memref<16384x128xf32, #tpu.memory_space<hbm>> -> memref<16384x128xf32, #tpu.memory_space<hbm>>
    tpu.wait_indirect_dma semaphore(%arg10 : memref<!tpu.dma_semaphore, #tpu.memory_space<semaphore_mem>>) src(%dma_wait3A_259 : memref<16384x128xf32, #tpu.memory_space<hbm>>) dst(%arg8 : memref<128x128xf32, #tpu.memory_space<vmem>>)
    %dma_start3A_260 = arith.constant 0 : i32
    %dma_start3A_261 = tpu.memref_slice %arg4[%multiple_of3A_246, %dma_start3A_260] : memref<65536x128xf32, #tpu.memory_space<hbm>> -> memref<128x128xf32, #tpu.memory_space<hbm>>
    %dma_start3A_262 = arith.constant 0 : i32
    %dma_start3A_263 = tpu.memref_slice %arg4[%multiple_of3A_246, %dma_start3A_262] : memref<65536x128xf32, #tpu.memory_space<hbm>> -> memref<128x128xf32, #tpu.memory_space<hbm>>
    tpu.enqueue_dma source(%arg8 : memref<128x128xf32, #tpu.memory_space<vmem>>) target(%dma_start3A_263 : memref<128x128xf32, #tpu.memory_space<hbm>>) target_semaphore(%arg12 : memref<!tpu.dma_semaphore, #tpu.memory_space<semaphore_mem>>)
    %dma_wait3A_264 = arith.constant 0 : i32
    %dma_wait3A_265 = tpu.memref_slice %arg4[%multiple_of3A_229, %dma_wait3A_264] : memref<65536x128xf32, #tpu.memory_space<hbm>> -> memref<128x128xf32, #tpu.memory_space<hbm>>
    %dma_wait3A_266 = arith.constant 0 : i32
    %dma_wait3A_267 = tpu.memref_slice %arg4[%multiple_of3A_229, %dma_wait3A_266] : memref<65536x128xf32, #tpu.memory_space<hbm>> -> memref<128x128xf32, #tpu.memory_space<hbm>>
    tpu.wait_dma2 semaphore(%arg11 : memref<!tpu.dma_semaphore, #tpu.memory_space<semaphore_mem>>) src(%arg7 : memref<128x128xf32, #tpu.memory_space<vmem>>) dst(%dma_wait3A_267 : memref<128x128xf32, #tpu.memory_space<hbm>>)
    %dma_wait3A_268 = arith.constant 0 : i32
    %dma_wait3A_269 = tpu.memref_slice %arg4[%multiple_of3A_246, %dma_wait3A_268] : memref<65536x128xf32, #tpu.memory_space<hbm>> -> memref<128x128xf32, #tpu.memory_space<hbm>>
    %dma_wait3A_270 = arith.constant 0 : i32
    %dma_wait3A_271 = tpu.memref_slice %arg4[%multiple_of3A_246, %dma_wait3A_270] : memref<65536x128xf32, #tpu.memory_space<hbm>> -> memref<128x128xf32, #tpu.memory_space<hbm>>
    tpu.wait_dma2 semaphore(%arg12 : memref<!tpu.dma_semaphore, #tpu.memory_space<semaphore_mem>>) src(%arg8 : memref<128x128xf32, #tpu.memory_space<vmem>>) dst(%dma_wait3A_271 : memref<128x128xf32, #tpu.memory_space<hbm>>)
    return
  }
}

module attributes {stable_mosaic.version = 14 : i64} {
  func.func @_fps_body(%arg0: memref<8x2048xf32, #tpu.memory_space<vmem>>, %arg1: memref<8x2048xf32, #tpu.memory_space<vmem>>, %arg2: memref<8x512xf32, #tpu.memory_space<vmem>>, %arg3: memref<8x512xf32, #tpu.memory_space<vmem>>) attributes {dimension_semantics = [], scalar_prefetch = 0 : i64, scratch_operands = 0 : i64, tpu.core_type = #tpu.core_type<tc>} {
    %get3A = arith.constant 0 : index
    %get3A_0 = arith.constant 0 : index
    %get3A_1 = vector.load %arg0[%get3A, %get3A_0] : memref<8x2048xf32, #tpu.memory_space<vmem>>, vector<8x2048xf32>
    %get3A_2 = arith.constant 0 : index
    %get3A_3 = arith.constant 0 : index
    %get3A_4 = vector.load %arg1[%get3A_2, %get3A_3] : memref<8x2048xf32, #tpu.memory_space<vmem>>, vector<8x2048xf32>
    %concatenate3A = tpu.concatenate %get3A_1, %get3A_4 in 0 : vector<8x2048xf32>, vector<8x2048xf32> -> vector<16x2048xf32>
    %iota3A = tpu.iota {dimensions = array<i32: 1>} : vector<8x2048xi32>
    %iota3A_5 = tpu.iota {dimensions = array<i32: 1>} : vector<8x512xi32>
    %broadcast_in_dim3A = arith.constant 1.000000e+10 : f32
    %broadcast_in_dim3A_6 = vector.broadcast %broadcast_in_dim3A : f32 to vector<8x2048xf32>
    %broadcast_in_dim3A_7 = arith.constant 0 : i32
    %broadcast_in_dim3A_8 = vector.broadcast %broadcast_in_dim3A_7 : i32 to vector<8x1xi32>
    %broadcast_in_dim3A_9 = arith.constant 0.000000e+00 : f32
    %broadcast_in_dim3A_10 = vector.broadcast %broadcast_in_dim3A_9 : f32 to vector<8x512xf32>
    %scan3A = arith.constant 0 : i32
    %scan3A_11 = arith.constant 512 : i32
    %scan3A_12 = arith.addi %scan3A, %scan3A_11 : i32
    %scan3A_13 = arith.constant 1 : i32
    %scan3A_14:4 = scf.for %scan3A_21 = %scan3A to %scan3A_12 step %scan3A_13 iter_args(%scan3A_22 = %broadcast_in_dim3A_6, %scan3A_23 = %broadcast_in_dim3A_8, %scan3A_24 = %broadcast_in_dim3A_10, %scan3A_25 = %broadcast_in_dim3A_10) -> (vector<8x2048xf32>, vector<8x1xi32>, vector<8x512xf32>, vector<8x512xf32>)  : i32 {
      %eq3A = vector.broadcast %scan3A_21 : i32 to vector<8x512xi32>
      %eq3A_26 = arith.cmpi eq, %iota3A_5, %eq3A : vector<8x512xi32>
      %convert_element_type3A = arith.extui %eq3A_26 : vector<8x512xi1> to vector<8x512xi32>
      %convert_element_type3A_27 = arith.sitofp %convert_element_type3A : vector<8x512xi32> to vector<8x512xf32>
      %eq3A_28 = vector.broadcast %scan3A_23 : vector<8x1xi32> to vector<8x2048xi32>
      %eq3A_29 = arith.cmpi eq, %iota3A, %eq3A_28 : vector<8x2048xi32>
      %concatenate3A_30 = tpu.concatenate %eq3A_29, %eq3A_29 in 0 : vector<8x2048xi1>, vector<8x2048xi1> -> vector<16x2048xi1>
      %jit3A = arith.constant 0.000000e+00 : f32
      %broadcast_in_dim3A_31 = vector.broadcast %jit3A : f32 to vector<16x2048xf32>
      %select_n3A = arith.select %concatenate3A_30, %concatenate3A, %broadcast_in_dim3A_31 : vector<16x2048xi1>, vector<16x2048xf32>
      %reduce_sum3A = arith.constant dense<0.000000e+00> : vector<16xf32>
      %reduce_sum3A_32 = vector.multi_reduction <add>, %select_n3A, %reduce_sum3A [1] : vector<16x2048xf32> to vector<16xf32>
      %broadcast_in_dim3A_33 = vector.shape_cast %reduce_sum3A_32 : vector<16xf32> to vector<16x1xf32>
      %slice3A = vector.extract_strided_slice %broadcast_in_dim3A_33 {offsets = [0, 0], sizes = [8, 1], strides = [1, 1]} : vector<16x1xf32> to vector<8x1xf32>
      %slice3A_34 = vector.extract_strided_slice %broadcast_in_dim3A_33 {offsets = [8, 0], sizes = [8, 1], strides = [1, 1]} : vector<16x1xf32> to vector<8x1xf32>
      %mul3A = vector.broadcast %slice3A : vector<8x1xf32> to vector<8x512xf32>
      %mul3A_35 = arith.mulf %convert_element_type3A_27, %mul3A : vector<8x512xf32>
      %add3A = arith.addf %scan3A_24, %mul3A_35 : vector<8x512xf32>
      %mul3A_36 = vector.broadcast %slice3A_34 : vector<8x1xf32> to vector<8x512xf32>
      %mul3A_37 = arith.mulf %convert_element_type3A_27, %mul3A_36 : vector<8x512xf32>
      %add3A_38 = arith.addf %scan3A_25, %mul3A_37 : vector<8x512xf32>
      %sub3A = vector.broadcast %slice3A : vector<8x1xf32> to vector<8x2048xf32>
      %sub3A_39 = arith.subf %get3A_1, %sub3A : vector<8x2048xf32>
      %sub3A_40 = vector.broadcast %slice3A_34 : vector<8x1xf32> to vector<8x2048xf32>
      %sub3A_41 = arith.subf %get3A_4, %sub3A_40 : vector<8x2048xf32>
      %mul3A_42 = arith.mulf %sub3A_39, %sub3A_39 : vector<8x2048xf32>
      %mul3A_43 = arith.mulf %sub3A_41, %sub3A_41 : vector<8x2048xf32>
      %add3A_44 = arith.addf %mul3A_42, %mul3A_43 : vector<8x2048xf32>
      %min3A = arith.minimumf %scan3A_22, %add3A_44 : vector<8x2048xf32>
      %reduce_max3A = arith.constant dense<0xFF800000> : vector<8xf32>
      %reduce_max3A_45 = vector.multi_reduction <maximumf>, %min3A, %reduce_max3A [1] : vector<8x2048xf32> to vector<8xf32>
      %broadcast_in_dim3A_46 = vector.shape_cast %reduce_max3A_45 : vector<8xf32> to vector<8x1xf32>
      %eq3A_47 = vector.broadcast %broadcast_in_dim3A_46 : vector<8x1xf32> to vector<8x2048xf32>
      %eq3A_48 = arith.cmpf oeq, %min3A, %eq3A_47 : vector<8x2048xf32>
      %jit3A_49 = arith.constant 2048 : i32
      %broadcast_in_dim3A_50 = vector.broadcast %jit3A_49 : i32 to vector<8x2048xi32>
      %select_n3A_51 = arith.select %eq3A_48, %iota3A, %broadcast_in_dim3A_50 : vector<8x2048xi1>, vector<8x2048xi32>
      %reduce_min3A = arith.constant dense<2147483647> : vector<8xi32>
      %reduce_min3A_52 = vector.multi_reduction <minsi>, %select_n3A_51, %reduce_min3A [1] : vector<8x2048xi32> to vector<8xi32>
      %broadcast_in_dim3A_53 = vector.shape_cast %reduce_min3A_52 : vector<8xi32> to vector<8x1xi32>
      scf.yield %min3A, %broadcast_in_dim3A_53, %add3A, %add3A_38 : vector<8x2048xf32>, vector<8x1xi32>, vector<8x512xf32>, vector<8x512xf32>
    }
    %scan3A_15 = arith.constant 512 : i32
    %swap3A = arith.constant 0 : index
    %swap3A_16 = arith.constant 0 : index
    %swap3A_17 = vector.load %arg2[%swap3A, %swap3A_16] : memref<8x512xf32, #tpu.memory_space<vmem>>, vector<8x512xf32>
    tpu.vector_store %arg2[%swap3A, %swap3A_16], %scan3A_14#2 {strides = array<i32>} : memref<8x512xf32, #tpu.memory_space<vmem>>, vector<8x512xf32>,
    %swap3A_18 = arith.constant 0 : index
    %swap3A_19 = arith.constant 0 : index
    %swap3A_20 = vector.load %arg3[%swap3A_18, %swap3A_19] : memref<8x512xf32, #tpu.memory_space<vmem>>, vector<8x512xf32>
    tpu.vector_store %arg3[%swap3A_18, %swap3A_19], %scan3A_14#3 {strides = array<i32>} : memref<8x512xf32, #tpu.memory_space<vmem>>, vector<8x512xf32>,
    return
  }
}

module attributes {stable_mosaic.version = 14 : i64} {
  func.func @_knn_body(%arg0: i32, %arg1: memref<1x2048x1xf32, #tpu.memory_space<vmem>>, %arg2: memref<1x2048x1xf32, #tpu.memory_space<vmem>>, %arg3: memref<1x1x512xf32, #tpu.memory_space<vmem>>, %arg4: memref<1x1x512xf32, #tpu.memory_space<vmem>>, %arg5: memref<1x16x512xi32, #tpu.memory_space<vmem>>) attributes {dimension_semantics = [#tpu.dimension_semantics<arbitrary>], iteration_bounds = array<i64: 8>, scalar_prefetch = 0 : i64, scratch_operands = 0 : i64, tpu.core_type = #tpu.core_type<tc>, window_params = [{transform_indices = @transform_0, window_bounds = array<i64: 1, 2048, 1>}, {transform_indices = @transform_1, window_bounds = array<i64: 1, 2048, 1>}, {transform_indices = @transform_2, window_bounds = array<i64: 1, 1, 512>}, {transform_indices = @transform_3, window_bounds = array<i64: 1, 1, 512>}, {transform_indices = @transform_4, window_bounds = array<i64: 1, 16, 512>}]} {
    %get3A = arith.constant 0 : index
    %get3A_0 = arith.constant 0 : index
    %get3A_1 = arith.constant 0 : index
    %get3A_2 = vector.load %arg1[%get3A, %get3A_0, %get3A_1] : memref<1x2048x1xf32, #tpu.memory_space<vmem>>, vector<1x2048x1xf32>
    %get3A_3 = vector.shape_cast %get3A_2 : vector<1x2048x1xf32> to vector<2048x1xf32>
    %get3A_4 = arith.constant 0 : index
    %get3A_5 = arith.constant 0 : index
    %get3A_6 = arith.constant 0 : index
    %get3A_7 = vector.load %arg2[%get3A_4, %get3A_5, %get3A_6] : memref<1x2048x1xf32, #tpu.memory_space<vmem>>, vector<1x2048x1xf32>
    %get3A_8 = vector.shape_cast %get3A_7 : vector<1x2048x1xf32> to vector<2048x1xf32>
    %get3A_9 = arith.constant 0 : index
    %get3A_10 = arith.constant 0 : index
    %get3A_11 = arith.constant 0 : index
    %get3A_12 = vector.load %arg3[%get3A_9, %get3A_10, %get3A_11] : memref<1x1x512xf32, #tpu.memory_space<vmem>>, vector<1x1x512xf32>
    %get3A_13 = vector.shape_cast %get3A_12 : vector<1x1x512xf32> to vector<1x512xf32>
    %get3A_14 = arith.constant 0 : index
    %get3A_15 = arith.constant 0 : index
    %get3A_16 = arith.constant 0 : index
    %get3A_17 = vector.load %arg4[%get3A_14, %get3A_15, %get3A_16] : memref<1x1x512xf32, #tpu.memory_space<vmem>>, vector<1x1x512xf32>
    %get3A_18 = vector.shape_cast %get3A_17 : vector<1x1x512xf32> to vector<1x512xf32>
    %sub3A = vector.broadcast %get3A_3 : vector<2048x1xf32> to vector<2048x512xf32>
    %sub3A_19 = vector.broadcast %get3A_13 : vector<1x512xf32> to vector<2048x512xf32>
    %sub3A_20 = arith.subf %sub3A, %sub3A_19 : vector<2048x512xf32>
    %sub3A_21 = vector.broadcast %get3A_8 : vector<2048x1xf32> to vector<2048x512xf32>
    %sub3A_22 = vector.broadcast %get3A_18 : vector<1x512xf32> to vector<2048x512xf32>
    %sub3A_23 = arith.subf %sub3A_21, %sub3A_22 : vector<2048x512xf32>
    %mul3A = arith.mulf %sub3A_20, %sub3A_20 : vector<2048x512xf32>
    %mul3A_24 = arith.mulf %sub3A_23, %sub3A_23 : vector<2048x512xf32>
    %add3A = arith.addf %mul3A, %mul3A_24 : vector<2048x512xf32>
    %iota3A = tpu.iota {dimensions = array<i32: 0>} : vector<2048x512xi32>
    %reduce_min3A = arith.constant dense<0x7F800000> : vector<512xf32>
    %reduce_min3A_25 = vector.multi_reduction <minimumf>, %add3A, %reduce_min3A [0] : vector<2048x512xf32> to vector<512xf32>
    %broadcast_in_dim3A = vector.shape_cast %reduce_min3A_25 : vector<512xf32> to vector<1x512xf32>
    %eq3A = vector.broadcast %broadcast_in_dim3A : vector<1x512xf32> to vector<2048x512xf32>
    %eq3A_26 = arith.cmpf oeq, %add3A, %eq3A : vector<2048x512xf32>
    %jit3A = arith.constant 2048 : i32
    %broadcast_in_dim3A_27 = vector.broadcast %jit3A : i32 to vector<2048x512xi32>
    %select_n3A = arith.select %eq3A_26, %iota3A, %broadcast_in_dim3A_27 : vector<2048x512xi1>, vector<2048x512xi32>
    %reduce_min3A_28 = arith.constant dense<2147483647> : vector<512xi32>
    %reduce_min3A_29 = vector.multi_reduction <minsi>, %select_n3A, %reduce_min3A_28 [0] : vector<2048x512xi32> to vector<512xi32>
    %broadcast_in_dim3A_30 = vector.shape_cast %reduce_min3A_29 : vector<512xi32> to vector<1x512xi32>
    %swap3A = arith.constant 0 : index
    %swap3A_31 = arith.constant 0 : index
    %swap3A_32 = arith.constant 0 : index
    %swap3A_33 = vector.load %arg5[%swap3A, %swap3A_31, %swap3A_32] : memref<1x16x512xi32, #tpu.memory_space<vmem>>, vector<1x1x512xi32>
    %swap3A_34 = vector.shape_cast %swap3A_33 : vector<1x1x512xi32> to vector<1x512xi32>
    %swap3A_35 = vector.shape_cast %broadcast_in_dim3A_30 : vector<1x512xi32> to vector<1x1x512xi32>
    tpu.vector_store %arg5[%swap3A, %swap3A_31, %swap3A_32], %swap3A_35 {strides = array<i32>} : memref<1x16x512xi32, #tpu.memory_space<vmem>>, vector<1x1x512xi32>,
    %eq3A_36 = vector.broadcast %broadcast_in_dim3A_30 : vector<1x512xi32> to vector<2048x512xi32>
    %eq3A_37 = arith.cmpi eq, %iota3A, %eq3A_36 : vector<2048x512xi32>
    %jit3A_38 = arith.constant 0x7F800000 : f32
    %broadcast_in_dim3A_39 = vector.broadcast %jit3A_38 : f32 to vector<2048x512xf32>
    %select_n3A_40 = arith.select %eq3A_37, %broadcast_in_dim3A_39, %add3A : vector<2048x512xi1>, vector<2048x512xf32>
    %reduce_min3A_41 = arith.constant dense<0x7F800000> : vector<512xf32>
    %reduce_min3A_42 = vector.multi_reduction <minimumf>, %select_n3A_40, %reduce_min3A_41 [0] : vector<2048x512xf32> to vector<512xf32>
    %broadcast_in_dim3A_43 = vector.shape_cast %reduce_min3A_42 : vector<512xf32> to vector<1x512xf32>
    %eq3A_44 = vector.broadcast %broadcast_in_dim3A_43 : vector<1x512xf32> to vector<2048x512xf32>
    %eq3A_45 = arith.cmpf oeq, %select_n3A_40, %eq3A_44 : vector<2048x512xf32>
    %jit3A_46 = arith.constant 2048 : i32
    %broadcast_in_dim3A_47 = vector.broadcast %jit3A_46 : i32 to vector<2048x512xi32>
    %select_n3A_48 = arith.select %eq3A_45, %iota3A, %broadcast_in_dim3A_47 : vector<2048x512xi1>, vector<2048x512xi32>
    %reduce_min3A_49 = arith.constant dense<2147483647> : vector<512xi32>
    %reduce_min3A_50 = vector.multi_reduction <minsi>, %select_n3A_48, %reduce_min3A_49 [0] : vector<2048x512xi32> to vector<512xi32>
    %broadcast_in_dim3A_51 = vector.shape_cast %reduce_min3A_50 : vector<512xi32> to vector<1x512xi32>
    %swap3A_52 = arith.constant 0 : index
    %swap3A_53 = arith.constant 1 : index
    %swap3A_54 = arith.constant 0 : index
    %swap3A_55 = vector.load %arg5[%swap3A_52, %swap3A_53, %swap3A_54] : memref<1x16x512xi32, #tpu.memory_space<vmem>>, vector<1x1x512xi32>
    %swap3A_56 = vector.shape_cast %swap3A_55 : vector<1x1x512xi32> to vector<1x512xi32>
    %swap3A_57 = vector.shape_cast %broadcast_in_dim3A_51 : vector<1x512xi32> to vector<1x1x512xi32>
    tpu.vector_store %arg5[%swap3A_52, %swap3A_53, %swap3A_54], %swap3A_57 {strides = array<i32>} : memref<1x16x512xi32, #tpu.memory_space<vmem>>, vector<1x1x512xi32>,
    %eq3A_58 = vector.broadcast %broadcast_in_dim3A_51 : vector<1x512xi32> to vector<2048x512xi32>
    %eq3A_59 = arith.cmpi eq, %iota3A, %eq3A_58 : vector<2048x512xi32>
    %jit3A_60 = arith.constant 0x7F800000 : f32
    %broadcast_in_dim3A_61 = vector.broadcast %jit3A_60 : f32 to vector<2048x512xf32>
    %select_n3A_62 = arith.select %eq3A_59, %broadcast_in_dim3A_61, %select_n3A_40 : vector<2048x512xi1>, vector<2048x512xf32>
    %reduce_min3A_63 = arith.constant dense<0x7F800000> : vector<512xf32>
    %reduce_min3A_64 = vector.multi_reduction <minimumf>, %select_n3A_62, %reduce_min3A_63 [0] : vector<2048x512xf32> to vector<512xf32>
    %broadcast_in_dim3A_65 = vector.shape_cast %reduce_min3A_64 : vector<512xf32> to vector<1x512xf32>
    %eq3A_66 = vector.broadcast %broadcast_in_dim3A_65 : vector<1x512xf32> to vector<2048x512xf32>
    %eq3A_67 = arith.cmpf oeq, %select_n3A_62, %eq3A_66 : vector<2048x512xf32>
    %jit3A_68 = arith.constant 2048 : i32
    %broadcast_in_dim3A_69 = vector.broadcast %jit3A_68 : i32 to vector<2048x512xi32>
    %select_n3A_70 = arith.select %eq3A_67, %iota3A, %broadcast_in_dim3A_69 : vector<2048x512xi1>, vector<2048x512xi32>
    %reduce_min3A_71 = arith.constant dense<2147483647> : vector<512xi32>
    %reduce_min3A_72 = vector.multi_reduction <minsi>, %select_n3A_70, %reduce_min3A_71 [0] : vector<2048x512xi32> to vector<512xi32>
    %broadcast_in_dim3A_73 = vector.shape_cast %reduce_min3A_72 : vector<512xi32> to vector<1x512xi32>
    %swap3A_74 = arith.constant 0 : index
    %swap3A_75 = arith.constant 2 : index
    %swap3A_76 = arith.constant 0 : index
    %swap3A_77 = vector.load %arg5[%swap3A_74, %swap3A_75, %swap3A_76] : memref<1x16x512xi32, #tpu.memory_space<vmem>>, vector<1x1x512xi32>
    %swap3A_78 = vector.shape_cast %swap3A_77 : vector<1x1x512xi32> to vector<1x512xi32>
    %swap3A_79 = vector.shape_cast %broadcast_in_dim3A_73 : vector<1x512xi32> to vector<1x1x512xi32>
    tpu.vector_store %arg5[%swap3A_74, %swap3A_75, %swap3A_76], %swap3A_79 {strides = array<i32>} : memref<1x16x512xi32, #tpu.memory_space<vmem>>, vector<1x1x512xi32>,
    %eq3A_80 = vector.broadcast %broadcast_in_dim3A_73 : vector<1x512xi32> to vector<2048x512xi32>
    %eq3A_81 = arith.cmpi eq, %iota3A, %eq3A_80 : vector<2048x512xi32>
    %jit3A_82 = arith.constant 0x7F800000 : f32
    %broadcast_in_dim3A_83 = vector.broadcast %jit3A_82 : f32 to vector<2048x512xf32>
    %select_n3A_84 = arith.select %eq3A_81, %broadcast_in_dim3A_83, %select_n3A_62 : vector<2048x512xi1>, vector<2048x512xf32>
    %reduce_min3A_85 = arith.constant dense<0x7F800000> : vector<512xf32>
    %reduce_min3A_86 = vector.multi_reduction <minimumf>, %select_n3A_84, %reduce_min3A_85 [0] : vector<2048x512xf32> to vector<512xf32>
    %broadcast_in_dim3A_87 = vector.shape_cast %reduce_min3A_86 : vector<512xf32> to vector<1x512xf32>
    %eq3A_88 = vector.broadcast %broadcast_in_dim3A_87 : vector<1x512xf32> to vector<2048x512xf32>
    %eq3A_89 = arith.cmpf oeq, %select_n3A_84, %eq3A_88 : vector<2048x512xf32>
    %jit3A_90 = arith.constant 2048 : i32
    %broadcast_in_dim3A_91 = vector.broadcast %jit3A_90 : i32 to vector<2048x512xi32>
    %select_n3A_92 = arith.select %eq3A_89, %iota3A, %broadcast_in_dim3A_91 : vector<2048x512xi1>, vector<2048x512xi32>
    %reduce_min3A_93 = arith.constant dense<2147483647> : vector<512xi32>
    %reduce_min3A_94 = vector.multi_reduction <minsi>, %select_n3A_92, %reduce_min3A_93 [0] : vector<2048x512xi32> to vector<512xi32>
    %broadcast_in_dim3A_95 = vector.shape_cast %reduce_min3A_94 : vector<512xi32> to vector<1x512xi32>
    %swap3A_96 = arith.constant 0 : index
    %swap3A_97 = arith.constant 3 : index
    %swap3A_98 = arith.constant 0 : index
    %swap3A_99 = vector.load %arg5[%swap3A_96, %swap3A_97, %swap3A_98] : memref<1x16x512xi32, #tpu.memory_space<vmem>>, vector<1x1x512xi32>
    %swap3A_100 = vector.shape_cast %swap3A_99 : vector<1x1x512xi32> to vector<1x512xi32>
    %swap3A_101 = vector.shape_cast %broadcast_in_dim3A_95 : vector<1x512xi32> to vector<1x1x512xi32>
    tpu.vector_store %arg5[%swap3A_96, %swap3A_97, %swap3A_98], %swap3A_101 {strides = array<i32>} : memref<1x16x512xi32, #tpu.memory_space<vmem>>, vector<1x1x512xi32>,
    %eq3A_102 = vector.broadcast %broadcast_in_dim3A_95 : vector<1x512xi32> to vector<2048x512xi32>
    %eq3A_103 = arith.cmpi eq, %iota3A, %eq3A_102 : vector<2048x512xi32>
    %jit3A_104 = arith.constant 0x7F800000 : f32
    %broadcast_in_dim3A_105 = vector.broadcast %jit3A_104 : f32 to vector<2048x512xf32>
    %select_n3A_106 = arith.select %eq3A_103, %broadcast_in_dim3A_105, %select_n3A_84 : vector<2048x512xi1>, vector<2048x512xf32>
    %reduce_min3A_107 = arith.constant dense<0x7F800000> : vector<512xf32>
    %reduce_min3A_108 = vector.multi_reduction <minimumf>, %select_n3A_106, %reduce_min3A_107 [0] : vector<2048x512xf32> to vector<512xf32>
    %broadcast_in_dim3A_109 = vector.shape_cast %reduce_min3A_108 : vector<512xf32> to vector<1x512xf32>
    %eq3A_110 = vector.broadcast %broadcast_in_dim3A_109 : vector<1x512xf32> to vector<2048x512xf32>
    %eq3A_111 = arith.cmpf oeq, %select_n3A_106, %eq3A_110 : vector<2048x512xf32>
    %jit3A_112 = arith.constant 2048 : i32
    %broadcast_in_dim3A_113 = vector.broadcast %jit3A_112 : i32 to vector<2048x512xi32>
    %select_n3A_114 = arith.select %eq3A_111, %iota3A, %broadcast_in_dim3A_113 : vector<2048x512xi1>, vector<2048x512xi32>
    %reduce_min3A_115 = arith.constant dense<2147483647> : vector<512xi32>
    %reduce_min3A_116 = vector.multi_reduction <minsi>, %select_n3A_114, %reduce_min3A_115 [0] : vector<2048x512xi32> to vector<512xi32>
    %broadcast_in_dim3A_117 = vector.shape_cast %reduce_min3A_116 : vector<512xi32> to vector<1x512xi32>
    %swap3A_118 = arith.constant 0 : index
    %swap3A_119 = arith.constant 4 : index
    %swap3A_120 = arith.constant 0 : index
    %swap3A_121 = vector.load %arg5[%swap3A_118, %swap3A_119, %swap3A_120] : memref<1x16x512xi32, #tpu.memory_space<vmem>>, vector<1x1x512xi32>
    %swap3A_122 = vector.shape_cast %swap3A_121 : vector<1x1x512xi32> to vector<1x512xi32>
    %swap3A_123 = vector.shape_cast %broadcast_in_dim3A_117 : vector<1x512xi32> to vector<1x1x512xi32>
    tpu.vector_store %arg5[%swap3A_118, %swap3A_119, %swap3A_120], %swap3A_123 {strides = array<i32>} : memref<1x16x512xi32, #tpu.memory_space<vmem>>, vector<1x1x512xi32>,
    %eq3A_124 = vector.broadcast %broadcast_in_dim3A_117 : vector<1x512xi32> to vector<2048x512xi32>
    %eq3A_125 = arith.cmpi eq, %iota3A, %eq3A_124 : vector<2048x512xi32>
    %jit3A_126 = arith.constant 0x7F800000 : f32
    %broadcast_in_dim3A_127 = vector.broadcast %jit3A_126 : f32 to vector<2048x512xf32>
    %select_n3A_128 = arith.select %eq3A_125, %broadcast_in_dim3A_127, %select_n3A_106 : vector<2048x512xi1>, vector<2048x512xf32>
    %reduce_min3A_129 = arith.constant dense<0x7F800000> : vector<512xf32>
    %reduce_min3A_130 = vector.multi_reduction <minimumf>, %select_n3A_128, %reduce_min3A_129 [0] : vector<2048x512xf32> to vector<512xf32>
    %broadcast_in_dim3A_131 = vector.shape_cast %reduce_min3A_130 : vector<512xf32> to vector<1x512xf32>
    %eq3A_132 = vector.broadcast %broadcast_in_dim3A_131 : vector<1x512xf32> to vector<2048x512xf32>
    %eq3A_133 = arith.cmpf oeq, %select_n3A_128, %eq3A_132 : vector<2048x512xf32>
    %jit3A_134 = arith.constant 2048 : i32
    %broadcast_in_dim3A_135 = vector.broadcast %jit3A_134 : i32 to vector<2048x512xi32>
    %select_n3A_136 = arith.select %eq3A_133, %iota3A, %broadcast_in_dim3A_135 : vector<2048x512xi1>, vector<2048x512xi32>
    %reduce_min3A_137 = arith.constant dense<2147483647> : vector<512xi32>
    %reduce_min3A_138 = vector.multi_reduction <minsi>, %select_n3A_136, %reduce_min3A_137 [0] : vector<2048x512xi32> to vector<512xi32>
    %broadcast_in_dim3A_139 = vector.shape_cast %reduce_min3A_138 : vector<512xi32> to vector<1x512xi32>
    %swap3A_140 = arith.constant 0 : index
    %swap3A_141 = arith.constant 5 : index
    %swap3A_142 = arith.constant 0 : index
    %swap3A_143 = vector.load %arg5[%swap3A_140, %swap3A_141, %swap3A_142] : memref<1x16x512xi32, #tpu.memory_space<vmem>>, vector<1x1x512xi32>
    %swap3A_144 = vector.shape_cast %swap3A_143 : vector<1x1x512xi32> to vector<1x512xi32>
    %swap3A_145 = vector.shape_cast %broadcast_in_dim3A_139 : vector<1x512xi32> to vector<1x1x512xi32>
    tpu.vector_store %arg5[%swap3A_140, %swap3A_141, %swap3A_142], %swap3A_145 {strides = array<i32>} : memref<1x16x512xi32, #tpu.memory_space<vmem>>, vector<1x1x512xi32>,
    %eq3A_146 = vector.broadcast %broadcast_in_dim3A_139 : vector<1x512xi32> to vector<2048x512xi32>
    %eq3A_147 = arith.cmpi eq, %iota3A, %eq3A_146 : vector<2048x512xi32>
    %jit3A_148 = arith.constant 0x7F800000 : f32
    %broadcast_in_dim3A_149 = vector.broadcast %jit3A_148 : f32 to vector<2048x512xf32>
    %select_n3A_150 = arith.select %eq3A_147, %broadcast_in_dim3A_149, %select_n3A_128 : vector<2048x512xi1>, vector<2048x512xf32>
    %reduce_min3A_151 = arith.constant dense<0x7F800000> : vector<512xf32>
    %reduce_min3A_152 = vector.multi_reduction <minimumf>, %select_n3A_150, %reduce_min3A_151 [0] : vector<2048x512xf32> to vector<512xf32>
    %broadcast_in_dim3A_153 = vector.shape_cast %reduce_min3A_152 : vector<512xf32> to vector<1x512xf32>
    %eq3A_154 = vector.broadcast %broadcast_in_dim3A_153 : vector<1x512xf32> to vector<2048x512xf32>
    %eq3A_155 = arith.cmpf oeq, %select_n3A_150, %eq3A_154 : vector<2048x512xf32>
    %jit3A_156 = arith.constant 2048 : i32
    %broadcast_in_dim3A_157 = vector.broadcast %jit3A_156 : i32 to vector<2048x512xi32>
    %select_n3A_158 = arith.select %eq3A_155, %iota3A, %broadcast_in_dim3A_157 : vector<2048x512xi1>, vector<2048x512xi32>
    %reduce_min3A_159 = arith.constant dense<2147483647> : vector<512xi32>
    %reduce_min3A_160 = vector.multi_reduction <minsi>, %select_n3A_158, %reduce_min3A_159 [0] : vector<2048x512xi32> to vector<512xi32>
    %broadcast_in_dim3A_161 = vector.shape_cast %reduce_min3A_160 : vector<512xi32> to vector<1x512xi32>
    %swap3A_162 = arith.constant 0 : index
    %swap3A_163 = arith.constant 6 : index
    %swap3A_164 = arith.constant 0 : index
    %swap3A_165 = vector.load %arg5[%swap3A_162, %swap3A_163, %swap3A_164] : memref<1x16x512xi32, #tpu.memory_space<vmem>>, vector<1x1x512xi32>
    %swap3A_166 = vector.shape_cast %swap3A_165 : vector<1x1x512xi32> to vector<1x512xi32>
    %swap3A_167 = vector.shape_cast %broadcast_in_dim3A_161 : vector<1x512xi32> to vector<1x1x512xi32>
    tpu.vector_store %arg5[%swap3A_162, %swap3A_163, %swap3A_164], %swap3A_167 {strides = array<i32>} : memref<1x16x512xi32, #tpu.memory_space<vmem>>, vector<1x1x512xi32>,
    %eq3A_168 = vector.broadcast %broadcast_in_dim3A_161 : vector<1x512xi32> to vector<2048x512xi32>
    %eq3A_169 = arith.cmpi eq, %iota3A, %eq3A_168 : vector<2048x512xi32>
    %jit3A_170 = arith.constant 0x7F800000 : f32
    %broadcast_in_dim3A_171 = vector.broadcast %jit3A_170 : f32 to vector<2048x512xf32>
    %select_n3A_172 = arith.select %eq3A_169, %broadcast_in_dim3A_171, %select_n3A_150 : vector<2048x512xi1>, vector<2048x512xf32>
    %reduce_min3A_173 = arith.constant dense<0x7F800000> : vector<512xf32>
    %reduce_min3A_174 = vector.multi_reduction <minimumf>, %select_n3A_172, %reduce_min3A_173 [0] : vector<2048x512xf32> to vector<512xf32>
    %broadcast_in_dim3A_175 = vector.shape_cast %reduce_min3A_174 : vector<512xf32> to vector<1x512xf32>
    %eq3A_176 = vector.broadcast %broadcast_in_dim3A_175 : vector<1x512xf32> to vector<2048x512xf32>
    %eq3A_177 = arith.cmpf oeq, %select_n3A_172, %eq3A_176 : vector<2048x512xf32>
    %jit3A_178 = arith.constant 2048 : i32
    %broadcast_in_dim3A_179 = vector.broadcast %jit3A_178 : i32 to vector<2048x512xi32>
    %select_n3A_180 = arith.select %eq3A_177, %iota3A, %broadcast_in_dim3A_179 : vector<2048x512xi1>, vector<2048x512xi32>
    %reduce_min3A_181 = arith.constant dense<2147483647> : vector<512xi32>
    %reduce_min3A_182 = vector.multi_reduction <minsi>, %select_n3A_180, %reduce_min3A_181 [0] : vector<2048x512xi32> to vector<512xi32>
    %broadcast_in_dim3A_183 = vector.shape_cast %reduce_min3A_182 : vector<512xi32> to vector<1x512xi32>
    %swap3A_184 = arith.constant 0 : index
    %swap3A_185 = arith.constant 7 : index
    %swap3A_186 = arith.constant 0 : index
    %swap3A_187 = vector.load %arg5[%swap3A_184, %swap3A_185, %swap3A_186] : memref<1x16x512xi32, #tpu.memory_space<vmem>>, vector<1x1x512xi32>
    %swap3A_188 = vector.shape_cast %swap3A_187 : vector<1x1x512xi32> to vector<1x512xi32>
    %swap3A_189 = vector.shape_cast %broadcast_in_dim3A_183 : vector<1x512xi32> to vector<1x1x512xi32>
    tpu.vector_store %arg5[%swap3A_184, %swap3A_185, %swap3A_186], %swap3A_189 {strides = array<i32>} : memref<1x16x512xi32, #tpu.memory_space<vmem>>, vector<1x1x512xi32>,
    %eq3A_190 = vector.broadcast %broadcast_in_dim3A_183 : vector<1x512xi32> to vector<2048x512xi32>
    %eq3A_191 = arith.cmpi eq, %iota3A, %eq3A_190 : vector<2048x512xi32>
    %jit3A_192 = arith.constant 0x7F800000 : f32
    %broadcast_in_dim3A_193 = vector.broadcast %jit3A_192 : f32 to vector<2048x512xf32>
    %select_n3A_194 = arith.select %eq3A_191, %broadcast_in_dim3A_193, %select_n3A_172 : vector<2048x512xi1>, vector<2048x512xf32>
    %reduce_min3A_195 = arith.constant dense<0x7F800000> : vector<512xf32>
    %reduce_min3A_196 = vector.multi_reduction <minimumf>, %select_n3A_194, %reduce_min3A_195 [0] : vector<2048x512xf32> to vector<512xf32>
    %broadcast_in_dim3A_197 = vector.shape_cast %reduce_min3A_196 : vector<512xf32> to vector<1x512xf32>
    %eq3A_198 = vector.broadcast %broadcast_in_dim3A_197 : vector<1x512xf32> to vector<2048x512xf32>
    %eq3A_199 = arith.cmpf oeq, %select_n3A_194, %eq3A_198 : vector<2048x512xf32>
    %jit3A_200 = arith.constant 2048 : i32
    %broadcast_in_dim3A_201 = vector.broadcast %jit3A_200 : i32 to vector<2048x512xi32>
    %select_n3A_202 = arith.select %eq3A_199, %iota3A, %broadcast_in_dim3A_201 : vector<2048x512xi1>, vector<2048x512xi32>
    %reduce_min3A_203 = arith.constant dense<2147483647> : vector<512xi32>
    %reduce_min3A_204 = vector.multi_reduction <minsi>, %select_n3A_202, %reduce_min3A_203 [0] : vector<2048x512xi32> to vector<512xi32>
    %broadcast_in_dim3A_205 = vector.shape_cast %reduce_min3A_204 : vector<512xi32> to vector<1x512xi32>
    %swap3A_206 = arith.constant 0 : index
    %swap3A_207 = arith.constant 8 : index
    %swap3A_208 = arith.constant 0 : index
    %swap3A_209 = vector.load %arg5[%swap3A_206, %swap3A_207, %swap3A_208] : memref<1x16x512xi32, #tpu.memory_space<vmem>>, vector<1x1x512xi32>
    %swap3A_210 = vector.shape_cast %swap3A_209 : vector<1x1x512xi32> to vector<1x512xi32>
    %swap3A_211 = vector.shape_cast %broadcast_in_dim3A_205 : vector<1x512xi32> to vector<1x1x512xi32>
    tpu.vector_store %arg5[%swap3A_206, %swap3A_207, %swap3A_208], %swap3A_211 {strides = array<i32>} : memref<1x16x512xi32, #tpu.memory_space<vmem>>, vector<1x1x512xi32>,
    %eq3A_212 = vector.broadcast %broadcast_in_dim3A_205 : vector<1x512xi32> to vector<2048x512xi32>
    %eq3A_213 = arith.cmpi eq, %iota3A, %eq3A_212 : vector<2048x512xi32>
    %jit3A_214 = arith.constant 0x7F800000 : f32
    %broadcast_in_dim3A_215 = vector.broadcast %jit3A_214 : f32 to vector<2048x512xf32>
    %select_n3A_216 = arith.select %eq3A_213, %broadcast_in_dim3A_215, %select_n3A_194 : vector<2048x512xi1>, vector<2048x512xf32>
    %reduce_min3A_217 = arith.constant dense<0x7F800000> : vector<512xf32>
    %reduce_min3A_218 = vector.multi_reduction <minimumf>, %select_n3A_216, %reduce_min3A_217 [0] : vector<2048x512xf32> to vector<512xf32>
    %broadcast_in_dim3A_219 = vector.shape_cast %reduce_min3A_218 : vector<512xf32> to vector<1x512xf32>
    %eq3A_220 = vector.broadcast %broadcast_in_dim3A_219 : vector<1x512xf32> to vector<2048x512xf32>
    %eq3A_221 = arith.cmpf oeq, %select_n3A_216, %eq3A_220 : vector<2048x512xf32>
    %jit3A_222 = arith.constant 2048 : i32
    %broadcast_in_dim3A_223 = vector.broadcast %jit3A_222 : i32 to vector<2048x512xi32>
    %select_n3A_224 = arith.select %eq3A_221, %iota3A, %broadcast_in_dim3A_223 : vector<2048x512xi1>, vector<2048x512xi32>
    %reduce_min3A_225 = arith.constant dense<2147483647> : vector<512xi32>
    %reduce_min3A_226 = vector.multi_reduction <minsi>, %select_n3A_224, %reduce_min3A_225 [0] : vector<2048x512xi32> to vector<512xi32>
    %broadcast_in_dim3A_227 = vector.shape_cast %reduce_min3A_226 : vector<512xi32> to vector<1x512xi32>
    %swap3A_228 = arith.constant 0 : index
    %swap3A_229 = arith.constant 9 : index
    %swap3A_230 = arith.constant 0 : index
    %swap3A_231 = vector.load %arg5[%swap3A_228, %swap3A_229, %swap3A_230] : memref<1x16x512xi32, #tpu.memory_space<vmem>>, vector<1x1x512xi32>
    %swap3A_232 = vector.shape_cast %swap3A_231 : vector<1x1x512xi32> to vector<1x512xi32>
    %swap3A_233 = vector.shape_cast %broadcast_in_dim3A_227 : vector<1x512xi32> to vector<1x1x512xi32>
    tpu.vector_store %arg5[%swap3A_228, %swap3A_229, %swap3A_230], %swap3A_233 {strides = array<i32>} : memref<1x16x512xi32, #tpu.memory_space<vmem>>, vector<1x1x512xi32>,
    %eq3A_234 = vector.broadcast %broadcast_in_dim3A_227 : vector<1x512xi32> to vector<2048x512xi32>
    %eq3A_235 = arith.cmpi eq, %iota3A, %eq3A_234 : vector<2048x512xi32>
    %jit3A_236 = arith.constant 0x7F800000 : f32
    %broadcast_in_dim3A_237 = vector.broadcast %jit3A_236 : f32 to vector<2048x512xf32>
    %select_n3A_238 = arith.select %eq3A_235, %broadcast_in_dim3A_237, %select_n3A_216 : vector<2048x512xi1>, vector<2048x512xf32>
    %reduce_min3A_239 = arith.constant dense<0x7F800000> : vector<512xf32>
    %reduce_min3A_240 = vector.multi_reduction <minimumf>, %select_n3A_238, %reduce_min3A_239 [0] : vector<2048x512xf32> to vector<512xf32>
    %broadcast_in_dim3A_241 = vector.shape_cast %reduce_min3A_240 : vector<512xf32> to vector<1x512xf32>
    %eq3A_242 = vector.broadcast %broadcast_in_dim3A_241 : vector<1x512xf32> to vector<2048x512xf32>
    %eq3A_243 = arith.cmpf oeq, %select_n3A_238, %eq3A_242 : vector<2048x512xf32>
    %jit3A_244 = arith.constant 2048 : i32
    %broadcast_in_dim3A_245 = vector.broadcast %jit3A_244 : i32 to vector<2048x512xi32>
    %select_n3A_246 = arith.select %eq3A_243, %iota3A, %broadcast_in_dim3A_245 : vector<2048x512xi1>, vector<2048x512xi32>
    %reduce_min3A_247 = arith.constant dense<2147483647> : vector<512xi32>
    %reduce_min3A_248 = vector.multi_reduction <minsi>, %select_n3A_246, %reduce_min3A_247 [0] : vector<2048x512xi32> to vector<512xi32>
    %broadcast_in_dim3A_249 = vector.shape_cast %reduce_min3A_248 : vector<512xi32> to vector<1x512xi32>
    %swap3A_250 = arith.constant 0 : index
    %swap3A_251 = arith.constant 10 : index
    %swap3A_252 = arith.constant 0 : index
    %swap3A_253 = vector.load %arg5[%swap3A_250, %swap3A_251, %swap3A_252] : memref<1x16x512xi32, #tpu.memory_space<vmem>>, vector<1x1x512xi32>
    %swap3A_254 = vector.shape_cast %swap3A_253 : vector<1x1x512xi32> to vector<1x512xi32>
    %swap3A_255 = vector.shape_cast %broadcast_in_dim3A_249 : vector<1x512xi32> to vector<1x1x512xi32>
    tpu.vector_store %arg5[%swap3A_250, %swap3A_251, %swap3A_252], %swap3A_255 {strides = array<i32>} : memref<1x16x512xi32, #tpu.memory_space<vmem>>, vector<1x1x512xi32>,
    %eq3A_256 = vector.broadcast %broadcast_in_dim3A_249 : vector<1x512xi32> to vector<2048x512xi32>
    %eq3A_257 = arith.cmpi eq, %iota3A, %eq3A_256 : vector<2048x512xi32>
    %jit3A_258 = arith.constant 0x7F800000 : f32
    %broadcast_in_dim3A_259 = vector.broadcast %jit3A_258 : f32 to vector<2048x512xf32>
    %select_n3A_260 = arith.select %eq3A_257, %broadcast_in_dim3A_259, %select_n3A_238 : vector<2048x512xi1>, vector<2048x512xf32>
    %reduce_min3A_261 = arith.constant dense<0x7F800000> : vector<512xf32>
    %reduce_min3A_262 = vector.multi_reduction <minimumf>, %select_n3A_260, %reduce_min3A_261 [0] : vector<2048x512xf32> to vector<512xf32>
    %broadcast_in_dim3A_263 = vector.shape_cast %reduce_min3A_262 : vector<512xf32> to vector<1x512xf32>
    %eq3A_264 = vector.broadcast %broadcast_in_dim3A_263 : vector<1x512xf32> to vector<2048x512xf32>
    %eq3A_265 = arith.cmpf oeq, %select_n3A_260, %eq3A_264 : vector<2048x512xf32>
    %jit3A_266 = arith.constant 2048 : i32
    %broadcast_in_dim3A_267 = vector.broadcast %jit3A_266 : i32 to vector<2048x512xi32>
    %select_n3A_268 = arith.select %eq3A_265, %iota3A, %broadcast_in_dim3A_267 : vector<2048x512xi1>, vector<2048x512xi32>
    %reduce_min3A_269 = arith.constant dense<2147483647> : vector<512xi32>
    %reduce_min3A_270 = vector.multi_reduction <minsi>, %select_n3A_268, %reduce_min3A_269 [0] : vector<2048x512xi32> to vector<512xi32>
    %broadcast_in_dim3A_271 = vector.shape_cast %reduce_min3A_270 : vector<512xi32> to vector<1x512xi32>
    %swap3A_272 = arith.constant 0 : index
    %swap3A_273 = arith.constant 11 : index
    %swap3A_274 = arith.constant 0 : index
    %swap3A_275 = vector.load %arg5[%swap3A_272, %swap3A_273, %swap3A_274] : memref<1x16x512xi32, #tpu.memory_space<vmem>>, vector<1x1x512xi32>
    %swap3A_276 = vector.shape_cast %swap3A_275 : vector<1x1x512xi32> to vector<1x512xi32>
    %swap3A_277 = vector.shape_cast %broadcast_in_dim3A_271 : vector<1x512xi32> to vector<1x1x512xi32>
    tpu.vector_store %arg5[%swap3A_272, %swap3A_273, %swap3A_274], %swap3A_277 {strides = array<i32>} : memref<1x16x512xi32, #tpu.memory_space<vmem>>, vector<1x1x512xi32>,
    %eq3A_278 = vector.broadcast %broadcast_in_dim3A_271 : vector<1x512xi32> to vector<2048x512xi32>
    %eq3A_279 = arith.cmpi eq, %iota3A, %eq3A_278 : vector<2048x512xi32>
    %jit3A_280 = arith.constant 0x7F800000 : f32
    %broadcast_in_dim3A_281 = vector.broadcast %jit3A_280 : f32 to vector<2048x512xf32>
    %select_n3A_282 = arith.select %eq3A_279, %broadcast_in_dim3A_281, %select_n3A_260 : vector<2048x512xi1>, vector<2048x512xf32>
    %reduce_min3A_283 = arith.constant dense<0x7F800000> : vector<512xf32>
    %reduce_min3A_284 = vector.multi_reduction <minimumf>, %select_n3A_282, %reduce_min3A_283 [0] : vector<2048x512xf32> to vector<512xf32>
    %broadcast_in_dim3A_285 = vector.shape_cast %reduce_min3A_284 : vector<512xf32> to vector<1x512xf32>
    %eq3A_286 = vector.broadcast %broadcast_in_dim3A_285 : vector<1x512xf32> to vector<2048x512xf32>
    %eq3A_287 = arith.cmpf oeq, %select_n3A_282, %eq3A_286 : vector<2048x512xf32>
    %jit3A_288 = arith.constant 2048 : i32
    %broadcast_in_dim3A_289 = vector.broadcast %jit3A_288 : i32 to vector<2048x512xi32>
    %select_n3A_290 = arith.select %eq3A_287, %iota3A, %broadcast_in_dim3A_289 : vector<2048x512xi1>, vector<2048x512xi32>
    %reduce_min3A_291 = arith.constant dense<2147483647> : vector<512xi32>
    %reduce_min3A_292 = vector.multi_reduction <minsi>, %select_n3A_290, %reduce_min3A_291 [0] : vector<2048x512xi32> to vector<512xi32>
    %broadcast_in_dim3A_293 = vector.shape_cast %reduce_min3A_292 : vector<512xi32> to vector<1x512xi32>
    %swap3A_294 = arith.constant 0 : index
    %swap3A_295 = arith.constant 12 : index
    %swap3A_296 = arith.constant 0 : index
    %swap3A_297 = vector.load %arg5[%swap3A_294, %swap3A_295, %swap3A_296] : memref<1x16x512xi32, #tpu.memory_space<vmem>>, vector<1x1x512xi32>
    %swap3A_298 = vector.shape_cast %swap3A_297 : vector<1x1x512xi32> to vector<1x512xi32>
    %swap3A_299 = vector.shape_cast %broadcast_in_dim3A_293 : vector<1x512xi32> to vector<1x1x512xi32>
    tpu.vector_store %arg5[%swap3A_294, %swap3A_295, %swap3A_296], %swap3A_299 {strides = array<i32>} : memref<1x16x512xi32, #tpu.memory_space<vmem>>, vector<1x1x512xi32>,
    %eq3A_300 = vector.broadcast %broadcast_in_dim3A_293 : vector<1x512xi32> to vector<2048x512xi32>
    %eq3A_301 = arith.cmpi eq, %iota3A, %eq3A_300 : vector<2048x512xi32>
    %jit3A_302 = arith.constant 0x7F800000 : f32
    %broadcast_in_dim3A_303 = vector.broadcast %jit3A_302 : f32 to vector<2048x512xf32>
    %select_n3A_304 = arith.select %eq3A_301, %broadcast_in_dim3A_303, %select_n3A_282 : vector<2048x512xi1>, vector<2048x512xf32>
    %reduce_min3A_305 = arith.constant dense<0x7F800000> : vector<512xf32>
    %reduce_min3A_306 = vector.multi_reduction <minimumf>, %select_n3A_304, %reduce_min3A_305 [0] : vector<2048x512xf32> to vector<512xf32>
    %broadcast_in_dim3A_307 = vector.shape_cast %reduce_min3A_306 : vector<512xf32> to vector<1x512xf32>
    %eq3A_308 = vector.broadcast %broadcast_in_dim3A_307 : vector<1x512xf32> to vector<2048x512xf32>
    %eq3A_309 = arith.cmpf oeq, %select_n3A_304, %eq3A_308 : vector<2048x512xf32>
    %jit3A_310 = arith.constant 2048 : i32
    %broadcast_in_dim3A_311 = vector.broadcast %jit3A_310 : i32 to vector<2048x512xi32>
    %select_n3A_312 = arith.select %eq3A_309, %iota3A, %broadcast_in_dim3A_311 : vector<2048x512xi1>, vector<2048x512xi32>
    %reduce_min3A_313 = arith.constant dense<2147483647> : vector<512xi32>
    %reduce_min3A_314 = vector.multi_reduction <minsi>, %select_n3A_312, %reduce_min3A_313 [0] : vector<2048x512xi32> to vector<512xi32>
    %broadcast_in_dim3A_315 = vector.shape_cast %reduce_min3A_314 : vector<512xi32> to vector<1x512xi32>
    %swap3A_316 = arith.constant 0 : index
    %swap3A_317 = arith.constant 13 : index
    %swap3A_318 = arith.constant 0 : index
    %swap3A_319 = vector.load %arg5[%swap3A_316, %swap3A_317, %swap3A_318] : memref<1x16x512xi32, #tpu.memory_space<vmem>>, vector<1x1x512xi32>
    %swap3A_320 = vector.shape_cast %swap3A_319 : vector<1x1x512xi32> to vector<1x512xi32>
    %swap3A_321 = vector.shape_cast %broadcast_in_dim3A_315 : vector<1x512xi32> to vector<1x1x512xi32>
    tpu.vector_store %arg5[%swap3A_316, %swap3A_317, %swap3A_318], %swap3A_321 {strides = array<i32>} : memref<1x16x512xi32, #tpu.memory_space<vmem>>, vector<1x1x512xi32>,
    %eq3A_322 = vector.broadcast %broadcast_in_dim3A_315 : vector<1x512xi32> to vector<2048x512xi32>
    %eq3A_323 = arith.cmpi eq, %iota3A, %eq3A_322 : vector<2048x512xi32>
    %jit3A_324 = arith.constant 0x7F800000 : f32
    %broadcast_in_dim3A_325 = vector.broadcast %jit3A_324 : f32 to vector<2048x512xf32>
    %select_n3A_326 = arith.select %eq3A_323, %broadcast_in_dim3A_325, %select_n3A_304 : vector<2048x512xi1>, vector<2048x512xf32>
    %reduce_min3A_327 = arith.constant dense<0x7F800000> : vector<512xf32>
    %reduce_min3A_328 = vector.multi_reduction <minimumf>, %select_n3A_326, %reduce_min3A_327 [0] : vector<2048x512xf32> to vector<512xf32>
    %broadcast_in_dim3A_329 = vector.shape_cast %reduce_min3A_328 : vector<512xf32> to vector<1x512xf32>
    %eq3A_330 = vector.broadcast %broadcast_in_dim3A_329 : vector<1x512xf32> to vector<2048x512xf32>
    %eq3A_331 = arith.cmpf oeq, %select_n3A_326, %eq3A_330 : vector<2048x512xf32>
    %jit3A_332 = arith.constant 2048 : i32
    %broadcast_in_dim3A_333 = vector.broadcast %jit3A_332 : i32 to vector<2048x512xi32>
    %select_n3A_334 = arith.select %eq3A_331, %iota3A, %broadcast_in_dim3A_333 : vector<2048x512xi1>, vector<2048x512xi32>
    %reduce_min3A_335 = arith.constant dense<2147483647> : vector<512xi32>
    %reduce_min3A_336 = vector.multi_reduction <minsi>, %select_n3A_334, %reduce_min3A_335 [0] : vector<2048x512xi32> to vector<512xi32>
    %broadcast_in_dim3A_337 = vector.shape_cast %reduce_min3A_336 : vector<512xi32> to vector<1x512xi32>
    %swap3A_338 = arith.constant 0 : index
    %swap3A_339 = arith.constant 14 : index
    %swap3A_340 = arith.constant 0 : index
    %swap3A_341 = vector.load %arg5[%swap3A_338, %swap3A_339, %swap3A_340] : memref<1x16x512xi32, #tpu.memory_space<vmem>>, vector<1x1x512xi32>
    %swap3A_342 = vector.shape_cast %swap3A_341 : vector<1x1x512xi32> to vector<1x512xi32>
    %swap3A_343 = vector.shape_cast %broadcast_in_dim3A_337 : vector<1x512xi32> to vector<1x1x512xi32>
    tpu.vector_store %arg5[%swap3A_338, %swap3A_339, %swap3A_340], %swap3A_343 {strides = array<i32>} : memref<1x16x512xi32, #tpu.memory_space<vmem>>, vector<1x1x512xi32>,
    %eq3A_344 = vector.broadcast %broadcast_in_dim3A_337 : vector<1x512xi32> to vector<2048x512xi32>
    %eq3A_345 = arith.cmpi eq, %iota3A, %eq3A_344 : vector<2048x512xi32>
    %jit3A_346 = arith.constant 0x7F800000 : f32
    %broadcast_in_dim3A_347 = vector.broadcast %jit3A_346 : f32 to vector<2048x512xf32>
    %select_n3A_348 = arith.select %eq3A_345, %broadcast_in_dim3A_347, %select_n3A_326 : vector<2048x512xi1>, vector<2048x512xf32>
    %reduce_min3A_349 = arith.constant dense<0x7F800000> : vector<512xf32>
    %reduce_min3A_350 = vector.multi_reduction <minimumf>, %select_n3A_348, %reduce_min3A_349 [0] : vector<2048x512xf32> to vector<512xf32>
    %broadcast_in_dim3A_351 = vector.shape_cast %reduce_min3A_350 : vector<512xf32> to vector<1x512xf32>
    %eq3A_352 = vector.broadcast %broadcast_in_dim3A_351 : vector<1x512xf32> to vector<2048x512xf32>
    %eq3A_353 = arith.cmpf oeq, %select_n3A_348, %eq3A_352 : vector<2048x512xf32>
    %jit3A_354 = arith.constant 2048 : i32
    %broadcast_in_dim3A_355 = vector.broadcast %jit3A_354 : i32 to vector<2048x512xi32>
    %select_n3A_356 = arith.select %eq3A_353, %iota3A, %broadcast_in_dim3A_355 : vector<2048x512xi1>, vector<2048x512xi32>
    %reduce_min3A_357 = arith.constant dense<2147483647> : vector<512xi32>
    %reduce_min3A_358 = vector.multi_reduction <minsi>, %select_n3A_356, %reduce_min3A_357 [0] : vector<2048x512xi32> to vector<512xi32>
    %broadcast_in_dim3A_359 = vector.shape_cast %reduce_min3A_358 : vector<512xi32> to vector<1x512xi32>
    %swap3A_360 = arith.constant 0 : index
    %swap3A_361 = arith.constant 15 : index
    %swap3A_362 = arith.constant 0 : index
    %swap3A_363 = vector.load %arg5[%swap3A_360, %swap3A_361, %swap3A_362] : memref<1x16x512xi32, #tpu.memory_space<vmem>>, vector<1x1x512xi32>
    %swap3A_364 = vector.shape_cast %swap3A_363 : vector<1x1x512xi32> to vector<1x512xi32>
    %swap3A_365 = vector.shape_cast %broadcast_in_dim3A_359 : vector<1x512xi32> to vector<1x1x512xi32>
    tpu.vector_store %arg5[%swap3A_360, %swap3A_361, %swap3A_362], %swap3A_365 {strides = array<i32>} : memref<1x16x512xi32, #tpu.memory_space<vmem>>, vector<1x1x512xi32>,
    return
  }
  func.func @transform_0(%arg0: i32) -> (i32, i32, i32) {
    %c0_i32 = arith.constant 0 : i32
    %c0_i32_0 = arith.constant 0 : i32
    %c0_i32_1 = arith.constant 0 : i32
    return %arg0, %c0_i32, %c0_i32_0 : i32, i32, i32
  }
  func.func @transform_1(%arg0: i32) -> (i32, i32, i32) {
    %c0_i32 = arith.constant 0 : i32
    %c0_i32_0 = arith.constant 0 : i32
    %c0_i32_1 = arith.constant 0 : i32
    return %arg0, %c0_i32, %c0_i32_0 : i32, i32, i32
  }
  func.func @transform_2(%arg0: i32) -> (i32, i32, i32) {
    %c0_i32 = arith.constant 0 : i32
    %c0_i32_0 = arith.constant 0 : i32
    %c0_i32_1 = arith.constant 0 : i32
    return %arg0, %c0_i32, %c0_i32_0 : i32, i32, i32
  }
  func.func @transform_3(%arg0: i32) -> (i32, i32, i32) {
    %c0_i32 = arith.constant 0 : i32
    %c0_i32_0 = arith.constant 0 : i32
    %c0_i32_1 = arith.constant 0 : i32
    return %arg0, %c0_i32, %c0_i32_0 : i32, i32, i32
  }
  func.func @transform_4(%arg0: i32) -> (i32, i32, i32) {
    %c0_i32 = arith.constant 0 : i32
    %c0_i32_0 = arith.constant 0 : i32
    %c0_i32_1 = arith.constant 0 : i32
    return %arg0, %c0_i32, %c0_i32_0 : i32, i32, i32
  }
}

module attributes {stable_mosaic.version = 14 : i64} {
  func.func @_k5_body(%arg0: i32, %arg1: i32, %arg2: memref<1x16x128x128xf32, #tpu.memory_space<vmem>>, %arg3: memref<1x128x2xf32, #tpu.memory_space<vmem>>, %arg4: memref<256x128xf32, #tpu.memory_space<vmem>>, %arg5: memref<256x2xf32, #tpu.memory_space<vmem>>, %arg6: memref<1x256xf32, #tpu.memory_space<vmem>>, %arg7: memref<1x1x1x256xf32, #tpu.memory_space<vmem>>, %arg8: memref<1x1x1x256xf32, #tpu.memory_space<vmem>>) attributes {dimension_semantics = [#tpu.dimension_semantics<arbitrary>, #tpu.dimension_semantics<arbitrary>], iteration_bounds = array<i64: 8, 4>, scalar_prefetch = 0 : i64, scratch_operands = 0 : i64, tpu.core_type = #tpu.core_type<tc>, window_params = [{transform_indices = @transform_0, window_bounds = array<i64: 1, 16, 128, 128>}, {transform_indices = @transform_1, window_bounds = array<i64: 1, 128, 2>}, {pipeline_mode = #tpu.pipeline_mode<synchronous>, transform_indices = @transform_2, window_bounds = array<i64: 256, 128>}, {pipeline_mode = #tpu.pipeline_mode<synchronous>, transform_indices = @transform_3, window_bounds = array<i64: 256, 2>}, {pipeline_mode = #tpu.pipeline_mode<synchronous>, transform_indices = @transform_4, window_bounds = array<i64: 1, 256>}, {transform_indices = @transform_5, window_bounds = array<i64: 1, 1, 1, 256>}, {transform_indices = @transform_6, window_bounds = array<i64: 1, 1, 1, 256>}]} {
    %get3A = arith.constant 0 : index
    %get3A_0 = arith.constant 0 : index
    %get3A_1 = arith.constant 0 : index
    %get3A_2 = arith.constant 0 : index
    %get3A_3 = vector.load %arg2[%get3A, %get3A_0, %get3A_1, %get3A_2] : memref<1x16x128x128xf32, #tpu.memory_space<vmem>>, vector<1x16x128x128xf32>
    %get3A_4 = vector.shape_cast %get3A_3 : vector<1x16x128x128xf32> to vector<16x128x128xf32>
    %get3A_5 = arith.constant 0 : index
    %get3A_6 = arith.constant 0 : index
    %get3A_7 = arith.constant 0 : index
    %get3A_8 = vector.load %arg3[%get3A_5, %get3A_6, %get3A_7] : memref<1x128x2xf32, #tpu.memory_space<vmem>>, vector<1x128x2xf32>
    %get3A_9 = vector.shape_cast %get3A_8 : vector<1x128x2xf32> to vector<128x2xf32>
    %reshape3A = vector.shape_cast %get3A_4 : vector<16x128x128xf32> to vector<2048x128xf32>
    %get3A_10 = arith.constant 0 : index
    %get3A_11 = arith.constant 0 : index
    %get3A_12 = vector.load %arg4[%get3A_10, %get3A_11] : memref<256x128xf32, #tpu.memory_space<vmem>>, vector<256x128xf32>
    %dot_general3A = arith.constant dense<0.000000e+00> : vector<2048x256xf32>
    %dot_general3A_13 = tpu.matmul %reshape3A, %get3A_12, %dot_general3A {dimension_numbers = #tpu.dot_dimension_numbers<[1], [1], [0], [0], [0, 0, 1, 0], [], []>, transpose_lhs_hint = false} : vector<2048x128xf32>, vector<256x128xf32>, vector<2048x256xf32> -> vector<2048x256xf32>
    %get3A_14 = arith.constant 0 : index
    %get3A_15 = arith.constant 0 : index
    %get3A_16 = vector.load %arg5[%get3A_14, %get3A_15] : memref<256x2xf32, #tpu.memory_space<vmem>>, vector<256x2xf32>
    %dot_general3A_17 = arith.constant dense<0.000000e+00> : vector<128x256xf32>
    %dot_general3A_18 = tpu.matmul %get3A_9, %get3A_16, %dot_general3A_17 {dimension_numbers = #tpu.dot_dimension_numbers<[1], [1], [0], [0], [0, 0, 1, 0], [], []>, transpose_lhs_hint = false} : vector<128x2xf32>, vector<256x2xf32>, vector<128x256xf32> -> vector<128x256xf32>
    %reshape3A_19 = vector.shape_cast %dot_general3A_13 : vector<2048x256xf32> to vector<16x128x256xf32>
    %broadcast_in_dim3A = vector.shape_cast %dot_general3A_18 : vector<128x256xf32> to vector<1x128x256xf32>
    %sub3A = vector.broadcast %broadcast_in_dim3A : vector<1x128x256xf32> to vector<16x128x256xf32>
    %sub3A_20 = arith.subf %reshape3A_19, %sub3A : vector<16x128x256xf32>
    %get3A_21 = arith.constant 0 : index
    %get3A_22 = arith.constant 0 : index
    %get3A_23 = vector.load %arg6[%get3A_21, %get3A_22] : memref<1x256xf32, #tpu.memory_space<vmem>>, vector<1x256xf32>
    %broadcast_in_dim3A_24 = vector.shape_cast %get3A_23 : vector<1x256xf32> to vector<1x1x256xf32>
    %add3A = vector.broadcast %broadcast_in_dim3A_24 : vector<1x1x256xf32> to vector<16x128x256xf32>
    %add3A_25 = arith.addf %sub3A_20, %add3A : vector<16x128x256xf32>
    %reshape3A_26 = vector.shape_cast %add3A_25 : vector<16x128x256xf32> to vector<2048x256xf32>
    %reduce_sum3A = arith.constant dense<0.000000e+00> : vector<256xf32>
    %reduce_sum3A_27 = vector.multi_reduction <add>, %reshape3A_26, %reduce_sum3A [0] : vector<2048x256xf32> to vector<256xf32>
    %broadcast_in_dim3A_28 = vector.shape_cast %reduce_sum3A_27 : vector<256xf32> to vector<1x256xf32>
    %swap3A = arith.constant 0 : index
    %swap3A_29 = arith.constant 0 : index
    %swap3A_30 = arith.constant 0 : index
    %swap3A_31 = arith.constant 0 : index
    %swap3A_32 = vector.load %arg7[%swap3A, %swap3A_29, %swap3A_30, %swap3A_31] : memref<1x1x1x256xf32, #tpu.memory_space<vmem>>, vector<1x1x1x256xf32>
    %swap3A_33 = vector.shape_cast %swap3A_32 : vector<1x1x1x256xf32> to vector<1x256xf32>
    %swap3A_34 = vector.shape_cast %broadcast_in_dim3A_28 : vector<1x256xf32> to vector<1x1x1x256xf32>
    tpu.vector_store %arg7[%swap3A, %swap3A_29, %swap3A_30, %swap3A_31], %swap3A_34 {strides = array<i32>} : memref<1x1x1x256xf32, #tpu.memory_space<vmem>>, vector<1x1x1x256xf32>,
    %mul3A = arith.mulf %reshape3A_26, %reshape3A_26 : vector<2048x256xf32>
    %reduce_sum3A_35 = arith.constant dense<0.000000e+00> : vector<256xf32>
    %reduce_sum3A_36 = vector.multi_reduction <add>, %mul3A, %reduce_sum3A_35 [0] : vector<2048x256xf32> to vector<256xf32>
    %broadcast_in_dim3A_37 = vector.shape_cast %reduce_sum3A_36 : vector<256xf32> to vector<1x256xf32>
    %swap3A_38 = arith.constant 0 : index
    %swap3A_39 = arith.constant 0 : index
    %swap3A_40 = arith.constant 0 : index
    %swap3A_41 = arith.constant 0 : index
    %swap3A_42 = vector.load %arg8[%swap3A_38, %swap3A_39, %swap3A_40, %swap3A_41] : memref<1x1x1x256xf32, #tpu.memory_space<vmem>>, vector<1x1x1x256xf32>
    %swap3A_43 = vector.shape_cast %swap3A_42 : vector<1x1x1x256xf32> to vector<1x256xf32>
    %swap3A_44 = vector.shape_cast %broadcast_in_dim3A_37 : vector<1x256xf32> to vector<1x1x1x256xf32>
    tpu.vector_store %arg8[%swap3A_38, %swap3A_39, %swap3A_40, %swap3A_41], %swap3A_44 {strides = array<i32>} : memref<1x1x1x256xf32, #tpu.memory_space<vmem>>, vector<1x1x1x256xf32>,
    return
  }
  func.func @transform_0(%arg0: i32, %arg1: i32) -> (i32, i32, i32, i32) {
    %c0_i32 = arith.constant 0 : i32
    %c0_i32_0 = arith.constant 0 : i32
    %c0_i32_1 = arith.constant 0 : i32
    return %arg0, %c0_i32, %arg1, %c0_i32_0 : i32, i32, i32, i32
  }
  func.func @transform_1(%arg0: i32, %arg1: i32) -> (i32, i32, i32) {
    %c0_i32 = arith.constant 0 : i32
    %c0_i32_0 = arith.constant 0 : i32
    return %arg0, %arg1, %c0_i32 : i32, i32, i32
  }
  func.func @transform_2(%arg0: i32, %arg1: i32) -> (i32, i32) {
    %c0_i32 = arith.constant 0 : i32
    %c0_i32_0 = arith.constant 0 : i32
    %c0_i32_1 = arith.constant 0 : i32
    return %c0_i32, %c0_i32_0 : i32, i32
  }
  func.func @transform_3(%arg0: i32, %arg1: i32) -> (i32, i32) {
    %c0_i32 = arith.constant 0 : i32
    %c0_i32_0 = arith.constant 0 : i32
    %c0_i32_1 = arith.constant 0 : i32
    return %c0_i32, %c0_i32_0 : i32, i32
  }
  func.func @transform_4(%arg0: i32, %arg1: i32) -> (i32, i32) {
    %c0_i32 = arith.constant 0 : i32
    %c0_i32_0 = arith.constant 0 : i32
    %c0_i32_1 = arith.constant 0 : i32
    return %c0_i32, %c0_i32_0 : i32, i32
  }
  func.func @transform_5(%arg0: i32, %arg1: i32) -> (i32, i32, i32, i32) {
    %c0_i32 = arith.constant 0 : i32
    %c0_i32_0 = arith.constant 0 : i32
    %c0_i32_1 = arith.constant 0 : i32
    return %arg0, %arg1, %c0_i32, %c0_i32_0 : i32, i32, i32, i32
  }
  func.func @transform_6(%arg0: i32, %arg1: i32) -> (i32, i32, i32, i32) {
    %c0_i32 = arith.constant 0 : i32
    %c0_i32_0 = arith.constant 0 : i32
    %c0_i32_1 = arith.constant 0 : i32
    return %arg0, %arg1, %c0_i32, %c0_i32_0 : i32, i32, i32, i32
  }
}

module attributes {stable_mosaic.version = 14 : i64} {
  func.func @_k7_body(%arg0: i32, %arg1: memref<1x512x256xf32, #tpu.memory_space<vmem>>, %arg2: memref<1x512x256xf32, #tpu.memory_space<vmem>>, %arg3: memref<1x256xf32, #tpu.memory_space<vmem>>, %arg4: memref<1x256xf32, #tpu.memory_space<vmem>>, %arg5: memref<1x512x256xf32, #tpu.memory_space<vmem>>) attributes {dimension_semantics = [#tpu.dimension_semantics<arbitrary>], iteration_bounds = array<i64: 8>, scalar_prefetch = 0 : i64, scratch_operands = 0 : i64, tpu.core_type = #tpu.core_type<tc>, window_params = [{transform_indices = @transform_0, window_bounds = array<i64: 1, 512, 256>}, {transform_indices = @transform_1, window_bounds = array<i64: 1, 512, 256>}, {pipeline_mode = #tpu.pipeline_mode<synchronous>, transform_indices = @transform_2, window_bounds = array<i64: 1, 256>}, {pipeline_mode = #tpu.pipeline_mode<synchronous>, transform_indices = @transform_3, window_bounds = array<i64: 1, 256>}, {transform_indices = @transform_4, window_bounds = array<i64: 1, 512, 256>}]} {
    %get3A = arith.constant 0 : index
    %get3A_0 = arith.constant 0 : index
    %get3A_1 = arith.constant 0 : index
    %get3A_2 = vector.load %arg1[%get3A, %get3A_0, %get3A_1] : memref<1x512x256xf32, #tpu.memory_space<vmem>>, vector<1x512x256xf32>
    %get3A_3 = vector.shape_cast %get3A_2 : vector<1x512x256xf32> to vector<512x256xf32>
    %get3A_4 = arith.constant 0 : index
    %get3A_5 = arith.constant 0 : index
    %get3A_6 = arith.constant 0 : index
    %get3A_7 = vector.load %arg2[%get3A_4, %get3A_5, %get3A_6] : memref<1x512x256xf32, #tpu.memory_space<vmem>>, vector<1x512x256xf32>
    %get3A_8 = vector.shape_cast %get3A_7 : vector<1x512x256xf32> to vector<512x256xf32>
    %get3A_9 = arith.constant 0 : index
    %get3A_10 = arith.constant 0 : index
    %get3A_11 = vector.load %arg3[%get3A_9, %get3A_10] : memref<1x256xf32, #tpu.memory_space<vmem>>, vector<1x256xf32>
    %get3A_12 = arith.constant 0 : index
    %get3A_13 = arith.constant 0 : index
    %get3A_14 = vector.load %arg4[%get3A_12, %get3A_13] : memref<1x256xf32, #tpu.memory_space<vmem>>, vector<1x256xf32>
    %ge3A = arith.constant 0.000000e+00 : f32
    %ge3A_15 = vector.broadcast %ge3A : f32 to vector<1x256xf32>
    %ge3A_16 = arith.cmpf oge, %get3A_11, %ge3A_15 : vector<1x256xf32>
    %broadcast_in_dim3A = vector.shape_cast %ge3A_16 : vector<1x256xi1> to vector<1x256xi1>
    %broadcast_in_dim3A_17 = vector.broadcast %broadcast_in_dim3A : vector<1x256xi1> to vector<512x256xi1>
    %select_n3A = arith.select %broadcast_in_dim3A_17, %get3A_3, %get3A_8 : vector<512x256xi1>, vector<512x256xf32>
    %mul3A = vector.broadcast %get3A_11 : vector<1x256xf32> to vector<512x256xf32>
    %mul3A_18 = arith.mulf %select_n3A, %mul3A : vector<512x256xf32>
    %add3A = vector.broadcast %get3A_14 : vector<1x256xf32> to vector<512x256xf32>
    %add3A_19 = arith.addf %mul3A_18, %add3A : vector<512x256xf32>
    %max3A = arith.constant 0.000000e+00 : f32
    %max3A_20 = vector.broadcast %max3A : f32 to vector<512x256xf32>
    %max3A_21 = arith.maximumf %add3A_19, %max3A_20 : vector<512x256xf32>
    %swap3A = arith.constant 0 : index
    %swap3A_22 = arith.constant 0 : index
    %swap3A_23 = arith.constant 0 : index
    %swap3A_24 = vector.load %arg5[%swap3A, %swap3A_22, %swap3A_23] : memref<1x512x256xf32, #tpu.memory_space<vmem>>, vector<1x512x256xf32>
    %swap3A_25 = vector.shape_cast %swap3A_24 : vector<1x512x256xf32> to vector<512x256xf32>
    %swap3A_26 = vector.shape_cast %max3A_21 : vector<512x256xf32> to vector<1x512x256xf32>
    tpu.vector_store %arg5[%swap3A, %swap3A_22, %swap3A_23], %swap3A_26 {strides = array<i32>} : memref<1x512x256xf32, #tpu.memory_space<vmem>>, vector<1x512x256xf32>,
    return
  }
  func.func @transform_0(%arg0: i32) -> (i32, i32, i32) {
    %c0_i32 = arith.constant 0 : i32
    %c0_i32_0 = arith.constant 0 : i32
    %c0_i32_1 = arith.constant 0 : i32
    return %arg0, %c0_i32, %c0_i32_0 : i32, i32, i32
  }
  func.func @transform_1(%arg0: i32) -> (i32, i32, i32) {
    %c0_i32 = arith.constant 0 : i32
    %c0_i32_0 = arith.constant 0 : i32
    %c0_i32_1 = arith.constant 0 : i32
    return %arg0, %c0_i32, %c0_i32_0 : i32, i32, i32
  }
  func.func @transform_2(%arg0: i32) -> (i32, i32) {
    %c0_i32 = arith.constant 0 : i32
    %c0_i32_0 = arith.constant 0 : i32
    %c0_i32_1 = arith.constant 0 : i32
    return %c0_i32, %c0_i32_0 : i32, i32
  }
  func.func @transform_3(%arg0: i32) -> (i32, i32) {
    %c0_i32 = arith.constant 0 : i32
    %c0_i32_0 = arith.constant 0 : i32
    %c0_i32_1 = arith.constant 0 : i32
    return %c0_i32, %c0_i32_0 : i32, i32
  }
  func.func @transform_4(%arg0: i32) -> (i32, i32, i32) {
    %c0_i32 = arith.constant 0 : i32
    %c0_i32_0 = arith.constant 0 : i32
    %c0_i32_1 = arith.constant 0 : i32
    return %arg0, %c0_i32, %c0_i32_0 : i32, i32, i32
  }
}

module attributes {stable_mosaic.version = 14 : i64} {
  func.func @_k6_body(%arg0: i32, %arg1: i32, %arg2: memref<1x16x128x128xf32, #tpu.memory_space<vmem>>, %arg3: memref<1x128x2xf32, #tpu.memory_space<vmem>>, %arg4: memref<256x128xf32, #tpu.memory_space<vmem>>, %arg5: memref<256x2xf32, #tpu.memory_space<vmem>>, %arg6: memref<1x256xf32, #tpu.memory_space<vmem>>, %arg7: memref<1x256xf32, #tpu.memory_space<vmem>>, %arg8: memref<1x256xf32, #tpu.memory_space<vmem>>, %arg9: memref<256x256xf32, #tpu.memory_space<vmem>>, %arg10: memref<1x256xf32, #tpu.memory_space<vmem>>, %arg11: memref<1x128x256xf32, #tpu.memory_space<vmem>>, %arg12: memref<1x128x256xf32, #tpu.memory_space<vmem>>, %arg13: memref<1x1x1x256xf32, #tpu.memory_space<vmem>>, %arg14: memref<1x1x1x256xf32, #tpu.memory_space<vmem>>) attributes {dimension_semantics = [#tpu.dimension_semantics<arbitrary>, #tpu.dimension_semantics<arbitrary>], iteration_bounds = array<i64: 8, 4>, scalar_prefetch = 0 : i64, scratch_operands = 0 : i64, tpu.core_type = #tpu.core_type<tc>, window_params = [{transform_indices = @transform_0, window_bounds = array<i64: 1, 16, 128, 128>}, {transform_indices = @transform_1, window_bounds = array<i64: 1, 128, 2>}, {pipeline_mode = #tpu.pipeline_mode<synchronous>, transform_indices = @transform_2, window_bounds = array<i64: 256, 128>}, {pipeline_mode = #tpu.pipeline_mode<synchronous>, transform_indices = @transform_3, window_bounds = array<i64: 256, 2>}, {pipeline_mode = #tpu.pipeline_mode<synchronous>, transform_indices = @transform_4, window_bounds = array<i64: 1, 256>}, {pipeline_mode = #tpu.pipeline_mode<synchronous>, transform_indices = @transform_5, window_bounds = array<i64: 1, 256>}, {pipeline_mode = #tpu.pipeline_mode<synchronous>, transform_indices = @transform_6, window_bounds = array<i64: 1, 256>}, {pipeline_mode = #tpu.pipeline_mode<synchronous>, transform_indices = @transform_7, window_bounds = array<i64: 256, 256>}, {pipeline_mode = #tpu.pipeline_mode<synchronous>, transform_indices = @transform_8, window_bounds = array<i64: 1, 256>}, {transform_indices = @transform_9, window_bounds = array<i64: 1, 128, 256>}, {transform_indices = @transform_10, window_bounds = array<i64: 1, 128, 256>}, {transform_indices = @transform_11, window_bounds = array<i64: 1, 1, 1, 256>}, {transform_indices = @transform_12, window_bounds = array<i64: 1, 1, 1, 256>}]} {
    %get3A = arith.constant 0 : index
    %get3A_0 = arith.constant 0 : index
    %get3A_1 = arith.constant 0 : index
    %get3A_2 = arith.constant 0 : index
    %get3A_3 = vector.load %arg2[%get3A, %get3A_0, %get3A_1, %get3A_2] : memref<1x16x128x128xf32, #tpu.memory_space<vmem>>, vector<1x16x128x128xf32>
    %get3A_4 = vector.shape_cast %get3A_3 : vector<1x16x128x128xf32> to vector<16x128x128xf32>
    %get3A_5 = arith.constant 0 : index
    %get3A_6 = arith.constant 0 : index
    %get3A_7 = arith.constant 0 : index
    %get3A_8 = vector.load %arg3[%get3A_5, %get3A_6, %get3A_7] : memref<1x128x2xf32, #tpu.memory_space<vmem>>, vector<1x128x2xf32>
    %get3A_9 = vector.shape_cast %get3A_8 : vector<1x128x2xf32> to vector<128x2xf32>
    %reshape3A = vector.shape_cast %get3A_4 : vector<16x128x128xf32> to vector<2048x128xf32>
    %get3A_10 = arith.constant 0 : index
    %get3A_11 = arith.constant 0 : index
    %get3A_12 = vector.load %arg4[%get3A_10, %get3A_11] : memref<256x128xf32, #tpu.memory_space<vmem>>, vector<256x128xf32>
    %dot_general3A = arith.constant dense<0.000000e+00> : vector<2048x256xf32>
    %dot_general3A_13 = tpu.matmul %reshape3A, %get3A_12, %dot_general3A {dimension_numbers = #tpu.dot_dimension_numbers<[1], [1], [0], [0], [0, 0, 1, 0], [], []>, transpose_lhs_hint = false} : vector<2048x128xf32>, vector<256x128xf32>, vector<2048x256xf32> -> vector<2048x256xf32>
    %get3A_14 = arith.constant 0 : index
    %get3A_15 = arith.constant 0 : index
    %get3A_16 = vector.load %arg5[%get3A_14, %get3A_15] : memref<256x2xf32, #tpu.memory_space<vmem>>, vector<256x2xf32>
    %dot_general3A_17 = arith.constant dense<0.000000e+00> : vector<128x256xf32>
    %dot_general3A_18 = tpu.matmul %get3A_9, %get3A_16, %dot_general3A_17 {dimension_numbers = #tpu.dot_dimension_numbers<[1], [1], [0], [0], [0, 0, 1, 0], [], []>, transpose_lhs_hint = false} : vector<128x2xf32>, vector<256x2xf32>, vector<128x256xf32> -> vector<128x256xf32>
    %reshape3A_19 = vector.shape_cast %dot_general3A_13 : vector<2048x256xf32> to vector<16x128x256xf32>
    %broadcast_in_dim3A = vector.shape_cast %dot_general3A_18 : vector<128x256xf32> to vector<1x128x256xf32>
    %sub3A = vector.broadcast %broadcast_in_dim3A : vector<1x128x256xf32> to vector<16x128x256xf32>
    %sub3A_20 = arith.subf %reshape3A_19, %sub3A : vector<16x128x256xf32>
    %get3A_21 = arith.constant 0 : index
    %get3A_22 = arith.constant 0 : index
    %get3A_23 = vector.load %arg6[%get3A_21, %get3A_22] : memref<1x256xf32, #tpu.memory_space<vmem>>, vector<1x256xf32>
    %broadcast_in_dim3A_24 = vector.shape_cast %get3A_23 : vector<1x256xf32> to vector<1x1x256xf32>
    %add3A = vector.broadcast %broadcast_in_dim3A_24 : vector<1x1x256xf32> to vector<16x128x256xf32>
    %add3A_25 = arith.addf %sub3A_20, %add3A : vector<16x128x256xf32>
    %reshape3A_26 = vector.shape_cast %add3A_25 : vector<16x128x256xf32> to vector<2048x256xf32>
    %get3A_27 = arith.constant 0 : index
    %get3A_28 = arith.constant 0 : index
    %get3A_29 = vector.load %arg7[%get3A_27, %get3A_28] : memref<1x256xf32, #tpu.memory_space<vmem>>, vector<1x256xf32>
    %mul3A = vector.broadcast %get3A_29 : vector<1x256xf32> to vector<2048x256xf32>
    %mul3A_30 = arith.mulf %reshape3A_26, %mul3A : vector<2048x256xf32>
    %get3A_31 = arith.constant 0 : index
    %get3A_32 = arith.constant 0 : index
    %get3A_33 = vector.load %arg8[%get3A_31, %get3A_32] : memref<1x256xf32, #tpu.memory_space<vmem>>, vector<1x256xf32>
    %add3A_34 = vector.broadcast %get3A_33 : vector<1x256xf32> to vector<2048x256xf32>
    %add3A_35 = arith.addf %mul3A_30, %add3A_34 : vector<2048x256xf32>
    %max3A = arith.constant 0.000000e+00 : f32
    %max3A_36 = vector.broadcast %max3A : f32 to vector<2048x256xf32>
    %max3A_37 = arith.maximumf %add3A_35, %max3A_36 : vector<2048x256xf32>
    %get3A_38 = arith.constant 0 : index
    %get3A_39 = arith.constant 0 : index
    %get3A_40 = vector.load %arg9[%get3A_38, %get3A_39] : memref<256x256xf32, #tpu.memory_space<vmem>>, vector<256x256xf32>
    %dot_general3A_41 = arith.constant dense<0.000000e+00> : vector<2048x256xf32>
    %dot_general3A_42 = tpu.matmul %max3A_37, %get3A_40, %dot_general3A_41 {dimension_numbers = #tpu.dot_dimension_numbers<[1], [1], [0], [0], [0, 0, 1, 0], [], []>, transpose_lhs_hint = false} : vector<2048x256xf32>, vector<256x256xf32>, vector<2048x256xf32> -> vector<2048x256xf32>
    %get3A_43 = arith.constant 0 : index
    %get3A_44 = arith.constant 0 : index
    %get3A_45 = vector.load %arg10[%get3A_43, %get3A_44] : memref<1x256xf32, #tpu.memory_space<vmem>>, vector<1x256xf32>
    %add3A_46 = vector.broadcast %get3A_45 : vector<1x256xf32> to vector<2048x256xf32>
    %add3A_47 = arith.addf %dot_general3A_42, %add3A_46 : vector<2048x256xf32>
    %reduce_sum3A = arith.constant dense<0.000000e+00> : vector<256xf32>
    %reduce_sum3A_48 = vector.multi_reduction <add>, %add3A_47, %reduce_sum3A [0] : vector<2048x256xf32> to vector<256xf32>
    %broadcast_in_dim3A_49 = vector.shape_cast %reduce_sum3A_48 : vector<256xf32> to vector<1x256xf32>
    %swap3A = arith.constant 0 : index
    %swap3A_50 = arith.constant 0 : index
    %swap3A_51 = arith.constant 0 : index
    %swap3A_52 = arith.constant 0 : index
    %swap3A_53 = vector.load %arg13[%swap3A, %swap3A_50, %swap3A_51, %swap3A_52] : memref<1x1x1x256xf32, #tpu.memory_space<vmem>>, vector<1x1x1x256xf32>
    %swap3A_54 = vector.shape_cast %swap3A_53 : vector<1x1x1x256xf32> to vector<1x256xf32>
    %swap3A_55 = vector.shape_cast %broadcast_in_dim3A_49 : vector<1x256xf32> to vector<1x1x1x256xf32>
    tpu.vector_store %arg13[%swap3A, %swap3A_50, %swap3A_51, %swap3A_52], %swap3A_55 {strides = array<i32>} : memref<1x1x1x256xf32, #tpu.memory_space<vmem>>, vector<1x1x1x256xf32>,
    %mul3A_56 = arith.mulf %add3A_47, %add3A_47 : vector<2048x256xf32>
    %reduce_sum3A_57 = arith.constant dense<0.000000e+00> : vector<256xf32>
    %reduce_sum3A_58 = vector.multi_reduction <add>, %mul3A_56, %reduce_sum3A_57 [0] : vector<2048x256xf32> to vector<256xf32>
    %broadcast_in_dim3A_59 = vector.shape_cast %reduce_sum3A_58 : vector<256xf32> to vector<1x256xf32>
    %swap3A_60 = arith.constant 0 : index
    %swap3A_61 = arith.constant 0 : index
    %swap3A_62 = arith.constant 0 : index
    %swap3A_63 = arith.constant 0 : index
    %swap3A_64 = vector.load %arg14[%swap3A_60, %swap3A_61, %swap3A_62, %swap3A_63] : memref<1x1x1x256xf32, #tpu.memory_space<vmem>>, vector<1x1x1x256xf32>
    %swap3A_65 = vector.shape_cast %swap3A_64 : vector<1x1x1x256xf32> to vector<1x256xf32>
    %swap3A_66 = vector.shape_cast %broadcast_in_dim3A_59 : vector<1x256xf32> to vector<1x1x1x256xf32>
    tpu.vector_store %arg14[%swap3A_60, %swap3A_61, %swap3A_62, %swap3A_63], %swap3A_66 {strides = array<i32>} : memref<1x1x1x256xf32, #tpu.memory_space<vmem>>, vector<1x1x1x256xf32>,
    %reshape3A_67 = vector.shape_cast %add3A_47 : vector<2048x256xf32> to vector<16x128x256xf32>
    %reduce_max3A = arith.constant dense<0xFF800000> : vector<128x256xf32>
    %reduce_max3A_68 = vector.multi_reduction <maximumf>, %reshape3A_67, %reduce_max3A [0] : vector<16x128x256xf32> to vector<128x256xf32>
    %swap3A_69 = arith.constant 0 : index
    %swap3A_70 = arith.constant 0 : index
    %swap3A_71 = arith.constant 0 : index
    %swap3A_72 = vector.load %arg11[%swap3A_69, %swap3A_70, %swap3A_71] : memref<1x128x256xf32, #tpu.memory_space<vmem>>, vector<1x128x256xf32>
    %swap3A_73 = vector.shape_cast %swap3A_72 : vector<1x128x256xf32> to vector<128x256xf32>
    %swap3A_74 = vector.shape_cast %reduce_max3A_68 : vector<128x256xf32> to vector<1x128x256xf32>
    tpu.vector_store %arg11[%swap3A_69, %swap3A_70, %swap3A_71], %swap3A_74 {strides = array<i32>} : memref<1x128x256xf32, #tpu.memory_space<vmem>>, vector<1x128x256xf32>,
    %reduce_min3A = arith.constant dense<0x7F800000> : vector<128x256xf32>
    %reduce_min3A_75 = vector.multi_reduction <minimumf>, %reshape3A_67, %reduce_min3A [0] : vector<16x128x256xf32> to vector<128x256xf32>
    %swap3A_76 = arith.constant 0 : index
    %swap3A_77 = arith.constant 0 : index
    %swap3A_78 = arith.constant 0 : index
    %swap3A_79 = vector.load %arg12[%swap3A_76, %swap3A_77, %swap3A_78] : memref<1x128x256xf32, #tpu.memory_space<vmem>>, vector<1x128x256xf32>
    %swap3A_80 = vector.shape_cast %swap3A_79 : vector<1x128x256xf32> to vector<128x256xf32>
    %swap3A_81 = vector.shape_cast %reduce_min3A_75 : vector<128x256xf32> to vector<1x128x256xf32>
    tpu.vector_store %arg12[%swap3A_76, %swap3A_77, %swap3A_78], %swap3A_81 {strides = array<i32>} : memref<1x128x256xf32, #tpu.memory_space<vmem>>, vector<1x128x256xf32>,
    return
  }
  func.func @transform_0(%arg0: i32, %arg1: i32) -> (i32, i32, i32, i32) {
    %c0_i32 = arith.constant 0 : i32
    %c0_i32_0 = arith.constant 0 : i32
    %c0_i32_1 = arith.constant 0 : i32
    return %arg0, %c0_i32, %arg1, %c0_i32_0 : i32, i32, i32, i32
  }
  func.func @transform_1(%arg0: i32, %arg1: i32) -> (i32, i32, i32) {
    %c0_i32 = arith.constant 0 : i32
    %c0_i32_0 = arith.constant 0 : i32
    return %arg0, %arg1, %c0_i32 : i32, i32, i32
  }
  func.func @transform_2(%arg0: i32, %arg1: i32) -> (i32, i32) {
    %c0_i32 = arith.constant 0 : i32
    %c0_i32_0 = arith.constant 0 : i32
    %c0_i32_1 = arith.constant 0 : i32
    return %c0_i32, %c0_i32_0 : i32, i32
  }
  func.func @transform_3(%arg0: i32, %arg1: i32) -> (i32, i32) {
    %c0_i32 = arith.constant 0 : i32
    %c0_i32_0 = arith.constant 0 : i32
    %c0_i32_1 = arith.constant 0 : i32
    return %c0_i32, %c0_i32_0 : i32, i32
  }
  func.func @transform_4(%arg0: i32, %arg1: i32) -> (i32, i32) {
    %c0_i32 = arith.constant 0 : i32
    %c0_i32_0 = arith.constant 0 : i32
    %c0_i32_1 = arith.constant 0 : i32
    return %c0_i32, %c0_i32_0 : i32, i32
  }
  func.func @transform_5(%arg0: i32, %arg1: i32) -> (i32, i32) {
    %c0_i32 = arith.constant 0 : i32
    %c0_i32_0 = arith.constant 0 : i32
    %c0_i32_1 = arith.constant 0 : i32
    return %c0_i32, %c0_i32_0 : i32, i32
  }
  func.func @transform_6(%arg0: i32, %arg1: i32) -> (i32, i32) {
    %c0_i32 = arith.constant 0 : i32
    %c0_i32_0 = arith.constant 0 : i32
    %c0_i32_1 = arith.constant 0 : i32
    return %c0_i32, %c0_i32_0 : i32, i32
  }
  func.func @transform_7(%arg0: i32, %arg1: i32) -> (i32, i32) {
    %c0_i32 = arith.constant 0 : i32
    %c0_i32_0 = arith.constant 0 : i32
    %c0_i32_1 = arith.constant 0 : i32
    return %c0_i32, %c0_i32_0 : i32, i32
  }
  func.func @transform_8(%arg0: i32, %arg1: i32) -> (i32, i32) {
    %c0_i32 = arith.constant 0 : i32
    %c0_i32_0 = arith.constant 0 : i32
    %c0_i32_1 = arith.constant 0 : i32
    return %c0_i32, %c0_i32_0 : i32, i32
  }
  func.func @transform_9(%arg0: i32, %arg1: i32) -> (i32, i32, i32) {
    %c0_i32 = arith.constant 0 : i32
    %c0_i32_0 = arith.constant 0 : i32
    return %arg0, %arg1, %c0_i32 : i32, i32, i32
  }
  func.func @transform_10(%arg0: i32, %arg1: i32) -> (i32, i32, i32) {
    %c0_i32 = arith.constant 0 : i32
    %c0_i32_0 = arith.constant 0 : i32
    return %arg0, %arg1, %c0_i32 : i32, i32, i32
  }
  func.func @transform_11(%arg0: i32, %arg1: i32) -> (i32, i32, i32, i32) {
    %c0_i32 = arith.constant 0 : i32
    %c0_i32_0 = arith.constant 0 : i32
    %c0_i32_1 = arith.constant 0 : i32
    return %arg0, %arg1, %c0_i32, %c0_i32_0 : i32, i32, i32, i32
  }
  func.func @transform_12(%arg0: i32, %arg1: i32) -> (i32, i32, i32, i32) {
    %c0_i32 = arith.constant 0 : i32
    %c0_i32_0 = arith.constant 0 : i32
    %c0_i32_1 = arith.constant 0 : i32
    return %arg0, %arg1, %c0_i32, %c0_i32_0 : i32, i32, i32, i32
  }
}

</mosaic_0001>

<sc_bundles>
// kernel: kernel.8.cloned.1.call-start
scs
__scs_entry_jumppad:
0x0: {  	(pc) =	sbr.rel $0x88, $3  }
0x1: {  	(tag) =	ssettag $0x0;
	lr =	simm.s32 $0x1  }
0x2: {  	[smem:$0x3F97] =	sst lr;
	_ =	strace $0xD0000000  }
0x3: {  	_ = 	snop  }
0x4: {  	_ = 	snop  }
0x5: {  	_ = 	snop  }
0x6: {  	_ = 	snop  }
0x7: {  	_ = 	snop  }
__scs_overlays_trampoline_lowered:
0x8: {  	[smem:$0x3FA6] =	sst s0  }
0x9: {  	[smem:$0x3FA7] =	sst s1  }
0xa: {  	[smem:$0x3FA8] =	sst s2  }
0xb: {  	[smem:$0x3FA9] =	sst s3  }
0xc: {  	[smem:$0x3FAA] =	sst s4  }
0xd: {  	[smem:$0x3FAB] =	sst s5  }
0xe: {  	[smem:$0x3FAC] =	sst s6  }
0xf: {  	[smem:$0x3FAD] =	sst s7  }
0x10: {  	[smem:$0x3FAE] =	sst s8  }
0x11: {  	[smem:$0x3FAF] =	sst s9;
	s0 =	simm.s32 @!p0 $0x0  }
0x12: {  	s1 =	sld [smem:$0x3F95];
	s0 =	simm.s32 @p0 $0x1  }
0x13: {  	[smem:$0x3FB0] =	sst s0;
	s0 =	simm.s32 @!p1 $0x0  }
0x14: {  	s2 =	sld [smem:$0x3F94];
	s0 =	simm.s32 @p1 $0x1  }
0x15: {  	[smem:$0x3FB1] =	sst s0;
	s0 =	simm.s32 @!p2 $0x0  }
0x16: {  	s3 =	sld [smem:$0x3FDB];
	s0 =	simm.s32 @p2 $0x1  }
0x17: {  	s4 =	simm.s32 $0x1BF5;
	[smem:$0x3FB3] =	sst s0  }
0x18: {  	s0 =	sld [smem:$0x3F96];
	_ =	swait.ge [sflag:s4], $0x0  }
0x19: {  	s7 =	sld [smem:$0x3F97]  }
0x1a: {  	s8 =	sadd.s32 $0xFFFFE003, lr  }
0x1b: {  	s9 =	sadd.s32 $0xFFFFFEF7, lr;
	s5 =	simm.s32 $0xFFFFFFFF;
	p2 =	slt.u32 s8, $0xFFFFF086  }
0x1c: {  	p1 =	slt.u32 s9, $0xF7A;
	s5 =	simm.s32 @!p2 $0x0  }
0x1d: {  	s5 =	simm.s32 @p1 $0x1;
	p0 =	seq.s32 s7, s2  }
0x1e: {  	s7 =	smul.u32 @!p0 $0xF7A, s2;
	p2 =	seq.s32 @!p0 s5, $0x0  }
0x1f: {  	s9 =	smul.u32 $0xF7A, s1;
	s8 =	simm.s32 @!p0 $0x1BF5;
	p2 =	por !p2, p0  }
0x20: {  	[sflag:s8] =	ssyncset.s32 @!p0 $0xFFFFF086;
	s6 =	sadd.s32 @!p0 s3, s7;
	s7 =	simm.s32 @!p0 $0x108  }
0x21: {  	s3 =	sadd.s32 s3, s9;
	s6 =	sadd.s32 @!p0 $0x88, s6;
	s7 =	simm.s32 @p2 $0x1082  }
0x22: {  	[simem:s7], [sflag:s8] =	dma.local @!p0 [hbm:s6], $0xF7A  }
0x23: {  	s9 =	sor.u32 $0xD0000000, s2;
	s6 =	simm.s32 $0x108;
	_ =	swait.ge @!p0 [sflag:s8], $0x0  }
0x24: {  	s3 =	sadd.s32 $0x88, s3;
	s6 =	simm.s32 @!p1 $0x1082;
	[sflag:s4] =	ssyncset.s32 $0xFFFFF086  }
0x25: {  	[simem:s6], [sflag:s4] =	dma.local [hbm:s3], $0xF7A  }
0x26: {  	[smem:$0x3F97] =	sst s1;
	(tag) =	ssettag s2;
	_ =	strace s9  }
0x27: {  	s1 =	sld [smem:$0x3FA7]  }
0x28: {  	s2 =	sld [smem:$0x3FA8]  }
0x29: {  	s4 =	sld [smem:$0x3FAA]  }
0x2a: {  	p0 =	seq.s32 s5, $0x0;
	s5 =	sld [smem:$0x3FAB]  }
0x2b: {  	s6 =	sld [smem:$0x3FAC]  }
0x2c: {  	s7 =	sld [smem:$0x3FAD]  }
0x2d: {  	s3 =	simm.s32 $0x108;
	s8 =	sld [smem:$0x3FAE]  }
0x2e: {  	s3 =	simm.s32 @!p0 $0x1082;
	s9 =	sld [smem:$0x3FAF]  }
0x2f: {  	lr =	sadd.s32 s0, s3;
	s0 =	sld [smem:$0x3FA6]  }
0x30: {  	s3 =	sld [smem:$0x3FA9]  }
0x31: {  	[smem:$0x3FB2] =	sst s10  }
0x32: {  	s10 =	sld [smem:$0x3FB0];
	_ =	sdelay $0x3  }
0x33: {  	p0 =	seq.s32 s10, $0x1;
	s10 =	sld [smem:$0x3FB2];
	_ =	sdelay $0x3  }
0x34: {  	[smem:$0x3FB2] =	sst s10  }
0x35: {  	s10 =	sld [smem:$0x3FB1];
	_ =	sdelay $0x3  }
0x36: {  	p1 =	seq.s32 s10, $0x1;
	s10 =	sld [smem:$0x3FB2];
	_ =	sdelay $0x3  }
0x37: {  	[smem:$0x3FB2] =	sst s10  }
0x38: {  	s10 =	sld [smem:$0x3FB3]  }
0x39: {  	_ = 	snop;
	(pc) =	sbr.ind lr, $3  }
0x3a: {  	_ = 	snop  }
0x3b: {  	_ = 	snop  }
0x3c: {  	p2 =	seq.s32 s10, $0x1;
	s10 =	sld [smem:$0x3FB2]  }
0x3d: {  	_ =	shalt  }
0x3e: {  	_ =	shalt  }
0x3f: {  	_ =	shalt  }
0x40: {  	_ =	shalt  }
0x41: {  	_ =	shalt  }
0x42: {  	_ =	shalt  }
0x43: {  	_ =	shalt  }
0x44: {  	_ =	shalt  }
0x45: {  	_ =	shalt  }
0x46: {  	_ =	shalt  }
0x47: {  	_ =	shalt  }
0x48: {  	_ =	shalt  }
0x49: {  	_ =	shalt  }
0x4a: {  	_ =	shalt  }
0x4b: {  	_ =	shalt  }
0x4c: {  	_ =	shalt  }
0x4d: {  	_ =	shalt  }
0x4e: {  	_ =	shalt  }
0x4f: {  	_ =	shalt  }
0x50: {  	_ =	shalt  }
0x51: {  	_ =	shalt  }
0x52: {  	_ =	shalt  }
0x53: {  	_ =	shalt  }
0x54: {  	_ =	shalt  }
0x55: {  	_ =	shalt  }
0x56: {  	_ =	shalt  }
0x57: {  	_ =	shalt  }
0x58: {  	_ =	shalt  }
0x59: {  	_ =	shalt  }
0x5a: {  	_ =	shalt  }
0x5b: {  	_ =	shalt  }
0x5c: {  	_ =	shalt  }
0x5d: {  	_ =	shalt  }
0x5e: {  	_ =	shalt  }
0x5f: {  	_ =	shalt  }
0x60: {  	_ =	shalt  }
0x61: {  	_ =	shalt  }
0x62: {  	_ =	shalt  }
0x63: {  	_ =	shalt  }
0x64: {  	_ =	shalt  }
0x65: {  	_ =	shalt  }
0x66: {  	_ =	shalt  }
0x67: {  	_ =	shalt  }
0x68: {  	_ =	shalt  }
0x69: {  	_ =	shalt  }
0x6a: {  	_ =	shalt  }
0x6b: {  	_ =	shalt  }
0x6c: {  	_ =	shalt  }
0x6d: {  	_ =	shalt  }
0x6e: {  	_ =	shalt  }
0x6f: {  	_ =	shalt  }
0x70: {  	_ =	shalt  }
0x71: {  	_ =	shalt  }
0x72: {  	_ =	shalt  }
0x73: {  	_ =	shalt  }
0x74: {  	_ =	shalt  }
0x75: {  	_ =	shalt  }
0x76: {  	_ =	shalt  }
0x77: {  	_ =	shalt  }
0x78: {  	_ =	shalt  }
0x79: {  	_ =	shalt  }
0x7a: {  	_ =	shalt  }
0x7b: {  	_ =	shalt  }
0x7c: {  	_ =	shalt  }
0x7d: {  	_ =	shalt  }
0x7e: {  	_ =	shalt  }
0x7f: {  	_ =	shalt  }
0x80: {  	_ =	shalt  }
0x81: {  	_ =	shalt  }
0x82: {  	_ =	shalt  }
0x83: {  	_ =	shalt  }
0x84: {  	_ =	shalt  }
0x85: {  	_ =	shalt  }
0x86: {  	_ =	shalt  }
0x87: {  	_ =	shalt  }
.Lfunc_end0:
.L_simem_size_0:
called_computation_lowered:
.L_overlay_start_0:
0x88: {  	s2 =	sld [smem:$0x3FD9]  }
0x89: {  	s3 =	sld [smem:$0x3FFE];
	_ =	sdelay $0x1  }
0x8a: {  	s1 =	srdreg.scid  }
0x8b: {  	s0 =	sand.u32 $0x1, s1  }
0x8c: {  	s14 =	sshll.u32 s0, $0xA;
	s2 =	sadd.s32 s3, s2  }
0x8d: {  	s2 =	sadd.s32 s2, s14  }
0x8e: {  	[smem:$0x3FBE] =	sst s2  }
0x8f: {  	_ = 	snop  }
0x90: {  	s2 =	sld [smem:$0x3FD0];
	_ =	sdelay $0x2  }
0x91: {  	s15 =	simm.s32 $0xA;
	s4 =	simm.s32 $0x10  }
0x92: {  	[smem:s4], [sflag:s15] =	dma.local [hbm:s2], $0x1  }
0x93: {  	_ =	swait.eq [sflag:s15], $0x1  }
0x94: {  	[sflag:s15] =	ssyncset.done $0x0  }
0x95: {  	[sflag:s15] =	ssyncadd.s32 $0xFFFFFFFF  }
0x96: {  	s16 =	sld [smem:$0x11];
	(tm) =	ssettm $0x1  }
0x97: {  	s17 =	sld [smem:$0x3FFB];
	_ =	sdelay $0x3  }
0x98: {  	_ =	strace s17  }
0x99: {  	s3 =	sld [smem:$0x3FFC];
	_ =	sdelay $0x3  }
0x9a: {  	_ =	strace s3  }
0x9b: {  	s3 =	sld [smem:$0x3FFD];
	_ =	sdelay $0x3  }
0x9c: {  	_ =	strace s3  }
0x9d: {  	_ =	strace $0x8FFFFFFF  }
0x9e: {  	s18 =	sld [smem:$0x3FDB];
	_ =	sdelay $0x1  }
0x9f: {  	s19 =	simm.s32 $_scs_section_size  }
0xa0: {  	s5 =	simm.s32 $_size__tile_overlayer_lowered;
	s6 =	simm.s32 $_tile_overlayer_lowered  }
0xa1: {  	s22 =	simm.s32 $0x1BFF;
	s21 =	sshll.u32 s6, $0x1;
	s3 =	sadd.s32 s19, s18  }
0xa2: {  	s7 =	simm.s32 $0x0;
	s20 =	sshll.u32 s5, $0x1;
	s5 =	sadd.s32 s21, s3  }
0xa3: {  	[timem:s7], [sflag:s22] =	dma.local [hbm:s5], s20  }
0xa4: {  	_ =	swait.ge [sflag:s22], s20  }
0xa5: {  	s4 =	ssub.s32 $0x0, s20;
	[sflag:s22] =	ssyncset.done $0x0  }
0xa6: {  	[sflag:s22] =	ssyncadd.s32 s4;
	_ =	sdelay $0x1  }
0xa7: {  	s23 =	simm.s32 $0x1B8B  }
0xa8: {  	_ =	swait.ge [sflag:s23], $0x1  }
0xa9: {  	[sflag:s23] =	ssyncset.done $0x0  }
0xaa: {  	s25 =	simm.s32 $0x1B8E;
	s24 =	sld [smem:$0x3FFE];
	[sflag:s23] =	ssyncadd.s32 $0xFFFFFFFF  }
0xab: {  	s26 =	simm.s32 $execute0_lowered;
	[smem:$0x3FD2] =	sst s25  }
0xac: {  	s5 =	sshll.u32 s26, $0x1;
	_ =	strace $0x80000046;
	[dreg:$0x1] =	wrdreg $0xFFFFFFFF  }
0xad: {  	s28 =	simm.s32 $_size_execute0_lowered;
	s3 =	sadd.s32 s3, s5;
	[dreg:$0x0] =	wrdreg $0x0  }
0xae: {  	s5 =	sshll.u32 s28, $0x1;
	[dreg:$0x2] =	wrdreg s3  }
0xaf: {  	[dreg:$0x3] =	wrdreg s5  }
0xb0: {  	[dreg:$0x4] =	wrdreg $0xC0  }
0xb1: {  	_ =	task [dreg:s7], $0x5FFFF  }
0xb2: {  	[dreg:$0x1] =	wrdreg $0xFFFFFFFF  }
0xb3: {  	[dreg:$0x0] =	wrdreg $0x60  }
0xb4: {  	[dreg:$0x2] =	wrdreg s24  }
0xb5: {  	[dreg:$0x3] =	wrdreg s16  }
0xb6: {  	[dreg:$0x4] =	wrdreg $0x9  }
0xb7: {  	_ =	task.clear_ibuf [dreg:s7], $0x5FFFF;
	_ =	strace $0x90000046  }
0xb8: {  	s29 =	simm.s32 $0x9;
	_ =	strace $0x80000048  }
0xb9: {  	_ =	swait.ge [sflag:s29], $0x1  }
0xba: {  	[sflag:s29] =	ssyncadd.s32 $0xFFFFFFFF  }
0xbb: {  	_ =	strace $0x90000048  }
0xbc: {  	_ =	sfence  }
0xbd: {  	s30 =	sld [smem:$0x0];
	_ =	sdelay $0x2  }
0xbe: {  	s31 =	sshll.u32 s1, $0xD;
	s1 =	sshrl.u32 s1, $0x2  }
0xbf: {  	s3 =	sand.u32 $0x4000, s31;
	s1 =	sadd.s32 s1, s30  }
0xc0: {  	s0 =	sor.u32 s3, s0;
	s1 =	sshll.u32 s1, $0x11  }
0xc1: {  	s0 =	sor.u32 s1, s0  }
0xc2: {  	s0 =	sadd.s32 $0x8F2B, s0  }
0xc3: {  	[sflag:s0] =	ssyncadd.remote.s32 $0x1  }
0xc4: {  	_ =	sfence.sel $0xFFFF  }
0xc5: {  	[dreg:$0x0] =	wrdreg $0xFFFFFFFF;
	(pc) =	sbr.abs _section_cstart, $3  }
0xc6: {  	[dreg:$0x1] =	wrdreg $0xFFFFFFFF  }
0xc7: {  	_ =	task.clear_ibuf [dreg:s7], $0x2FFFF;
	_ =	strace $0x9FFFFFFF  }
0xc8: {  	(tm) =	ssettm $0x7FFFFFFF  }
0xc9: {  	_ =	shalt  }
tec
execute0_lowered:
.L_overlay_start_1:
0x0: {  	(tag) =	ssettag $0x1  }
0x1: {  	s4 =	rddreg [dreg:$0x0]  }
0x2: {  	s29 =	rddreg [dreg:$0x1];
	s0 =	srdreg.scid  }
0x3: {  	s1 =	stileid.u32;
	s2 =	simm.s32 $0x0;
	s0 =	sand.u32 $0x1, s0  }
0x4: {  	s3 =	sshll.u32 s1, $0xC;
	[smem:$0x7FF] =	sst s2;
	s5 =	sshll.u32 s0, $0xB  }
0x5: {  	[dreg:$0x10] =	wrdreg s0;
	s30 =	sor.u32 s5, s3  }
0x6: {  	s31 =	sadd.s32 $0x40600, s4;
	_ =	strace $0x80000047;
	s3 =	sshrl.u32 s30, $0x3  }
0x7: {  	s5 =	sor.u32 $0x80, s30;
	s16 =	sshll.u32 s30, $0x4;
	s18 =	sor.u32 $0x100, s30  }
0x8: {  	s7 =	sor.u32 $0x180, s30;
	s1 =	sor.u32 $0x280, s30;
	s3 =	sadd.s32 s29, s3  }
0x9: {  	s6 =	sshrl.u32 s5, $0x3;
	s17 =	sadd.s32 s31, s16;
	[dreg:$0x3] =	wrdreg s3  }
0xa: {  	s19 =	sshrl.u32 s18, $0x3;
	s15 =	sadd.s32 s29, s6;
	[dreg:$0x5] =	wrdreg s17  }
0xb: {  	s5 =	sshll.u32 s5, $0x4;
	s3 =	sadd.s32 s29, s19;
	[dreg:$0x4] =	wrdreg s15  }
0xc: {  	s21 =	sshrl.u32 s7, $0x3;
	s20 =	sadd.s32 s31, s5;
	[dreg:$0x6] =	wrdreg s3  }
0xd: {  	s23 =	sshll.u32 s18, $0x4;
	s22 =	sadd.s32 s29, s21;
	[dreg:$0x7] =	wrdreg s20  }
0xe: {  	s0 =	sshll.u32 s7, $0x4;
	s24 =	sadd.s32 s31, s23;
	[dreg:$0x8] =	wrdreg s22  }
0xf: {  	s9 =	sshrl.u32 s1, $0x3;
	s8 =	sadd.s32 s31, s0;
	[dreg:$0x9] =	wrdreg s24  }
0x10: {  	s25 =	sor.u32 $0x200, s30;
	s10 =	sadd.s32 s29, s9;
	[dreg:$0xb] =	wrdreg s8  }
0x11: {  	s13 =	sor.u32 $0x300, s30;
	s14 =	sshll.u32 s1, $0x4;
	[dreg:$0xc] =	wrdreg s10  }
0x12: {  	s26 =	sshrl.u32 s25, $0x3;
	s16 =	sadd.s32 s31, s14;
	s15 =	rddreg [dreg:$0x3]  }
0x13: {  	s5 =	sshll.u32 s25, $0x4;
	s3 =	sadd.s32 s29, s26;
	[dreg:$0xf] =	wrdreg s16  }
0x14: {  	s12 =	sshrl.u32 s13, $0x3;
	s11 =	sadd.s32 s31, s5;
	[dreg:$0xa] =	wrdreg s3  }
0x15: {  	[dreg:$0xd] =	wrdreg s11;
	s3 =	sadd.s32 s29, s12  }
0x16: {  	[tilespmem:s2], [sflag:$0x5] =	stream.linear.gather [hbm4b:s15+s2], $0x80, $0x38;
	[tilespmem:$0x8100] =	vst v63  }
0x17: {  	[dreg:$0xe] =	wrdreg s3;
	s3 =	simm.s32 $0x5  }
0x18: {  	_ =	swait.ge [sflag:s3], $0x80  }
0x19: {  	s4 =	sadd.s32 $0x600, s4;
	[sflag:s3] =	ssyncset.done $0x0  }
0x1a: {  	s6 =	simm.s32 $0x100;
	s5 =	simm.s32 $0x80;
	[sflag:s3] =	ssyncadd.s32 $0xFFFFFF80  }
0x1b: {  	[tilespmem:s6], [sflag:$0x1] =	stream.indirect.gather [hbm4b:s4+s5], $0x80, s2, s5, $0xb8;
	[tilespmem:$0x8100] =	vst v63  }
0x1c: {  	s17 =	rddreg [dreg:$0x4]  }
0x1d: {  	[tilespmem:s5], [sflag:$0x5] =	stream.linear.gather [hbm4b:s17+s2], $0x80, $0x38;
	[tilespmem:$0x8100] =	vst v63  }
0x1e: {  	_ =	swait.ge [sflag:s3], $0x80  }
0x1f: {  	[sflag:s3] =	ssyncset.done $0x0  }
0x20: {  	s7 =	simm.s32 $0x4100;
	s8 =	simm.s32 $0x1;
	[sflag:s3] =	ssyncadd.s32 $0xFFFFFF80  }
0x21: {  	[tilespmem:s7], [sflag:$0x2] =	stream.indirect.gather [hbm4b:s4+s5], $0x80, s5, s5, $0xb8;
	[tilespmem:$0x8100] =	vst v63  }
0x22: {  	_ =	swait.ge [sflag:s8], $0x4000  }
0x23: {  	[sflag:s8] =	ssyncset.done $0x0  }
0x24: {  	s9 =	simm.s32 $0x3;
	s10 =	rddreg [dreg:$0x5];
	[sflag:s8] =	ssyncadd.s32 $0xFFFFC000  }
0x25: {  	[hbm4b:s10+s2] =	stream.linear.scatter [tilespmem:s6], [sflag:$0x3], $0x4000, $0x38;
	[tilespmem:$0x8100] =	vst v63  }
0x26: {  	_ =	swait.ge [sflag:s9], $0x4000  }
0x27: {  	[sflag:s9] =	ssyncset.done $0x0  }
0x28: {  	s18 =	rddreg [dreg:$0x6];
	[sflag:s9] =	ssyncadd.s32 $0xFFFFC000  }
0x29: {  	[tilespmem:s2], [sflag:$0x5] =	stream.linear.gather [hbm4b:s18+s2], $0x80, $0x38;
	[tilespmem:$0x8100] =	vst v63  }
0x2a: {  	_ =	swait.ge [sflag:s3], $0x80  }
0x2b: {  	[sflag:s3] =	ssyncset.done $0x0  }
0x2c: {  	s10 =	simm.s32 $0x2;
	[sflag:s3] =	ssyncadd.s32 $0xFFFFFF80  }
0x2d: {  	[tilespmem:s6], [sflag:$0x1] =	stream.indirect.gather [hbm4b:s4+s5], $0x80, s2, s5, $0xb8;
	[tilespmem:$0x8100] =	vst v63  }
0x2e: {  	_ =	swait.ge [sflag:s10], $0x4000  }
0x2f: {  	[sflag:s10] =	ssyncset.done $0x0  }
0x30: {  	s11 =	simm.s32 $0x4;
	s12 =	rddreg [dreg:$0x7];
	[sflag:s10] =	ssyncadd.s32 $0xFFFFC000  }
0x31: {  	[hbm4b:s12+s2] =	stream.linear.scatter [tilespmem:s7], [sflag:$0x4], $0x4000, $0x38;
	[tilespmem:$0x8100] =	vst v63  }
0x32: {  	_ =	swait.ge [sflag:s11], $0x4000  }
0x33: {  	[sflag:s11] =	ssyncset.done $0x0  }
0x34: {  	s19 =	rddreg [dreg:$0x8];
	[sflag:s11] =	ssyncadd.s32 $0xFFFFC000  }
0x35: {  	[tilespmem:s5], [sflag:$0x5] =	stream.linear.gather [hbm4b:s19+s2], $0x80, $0x38;
	[tilespmem:$0x8100] =	vst v63  }
0x36: {  	_ =	swait.ge [sflag:s3], $0x80  }
0x37: {  	[sflag:s3] =	ssyncset.done $0x0  }
0x38: {  	[sflag:s3] =	ssyncadd.s32 $0xFFFFFF80  }
0x39: {  	[tilespmem:s7], [sflag:$0x2] =	stream.indirect.gather [hbm4b:s4+s5], $0x80, s5, s5, $0xb8;
	[tilespmem:$0x8100] =	vst v63  }
0x3a: {  	_ =	swait.ge [sflag:s8], $0x4000  }
0x3b: {  	[sflag:s8] =	ssyncset.done $0x0  }
0x3c: {  	s20 =	rddreg [dreg:$0x9];
	[sflag:s8] =	ssyncadd.s32 $0xFFFFC000  }
0x3d: {  	[hbm4b:s20+s2] =	stream.linear.scatter [tilespmem:s6], [sflag:$0x3], $0x4000, $0x38;
	[tilespmem:$0x8100] =	vst v63  }
0x3e: {  	_ =	swait.ge [sflag:s9], $0x4000  }
0x3f: {  	[sflag:s9] =	ssyncset.done $0x0  }
0x40: {  	s21 =	rddreg [dreg:$0xa];
	[sflag:s9] =	ssyncadd.s32 $0xFFFFC000  }
0x41: {  	[tilespmem:s2], [sflag:$0x5] =	stream.linear.gather [hbm4b:s21+s2], $0x80, $0x38;
	[tilespmem:$0x8100] =	vst v63  }
0x42: {  	_ =	swait.ge [sflag:s3], $0x80  }
0x43: {  	[sflag:s3] =	ssyncset.done $0x0  }
0x44: {  	[sflag:s3] =	ssyncadd.s32 $0xFFFFFF80  }
0x45: {  	[tilespmem:s6], [sflag:$0x1] =	stream.indirect.gather [hbm4b:s4+s5], $0x80, s2, s5, $0xb8;
	[tilespmem:$0x8100] =	vst v63  }
0x46: {  	_ =	swait.ge [sflag:s10], $0x4000  }
0x47: {  	[sflag:s10] =	ssyncset.done $0x0  }
0x48: {  	s22 =	rddreg [dreg:$0xb];
	[sflag:s10] =	ssyncadd.s32 $0xFFFFC000  }
0x49: {  	[hbm4b:s22+s2] =	stream.linear.scatter [tilespmem:s7], [sflag:$0x4], $0x4000, $0x38;
	[tilespmem:$0x8100] =	vst v63  }
0x4a: {  	_ =	swait.ge [sflag:s11], $0x4000  }
0x4b: {  	[sflag:s11] =	ssyncset.done $0x0  }
0x4c: {  	s23 =	rddreg [dreg:$0xc];
	[sflag:s11] =	ssyncadd.s32 $0xFFFFC000  }
0x4d: {  	[tilespmem:s5], [sflag:$0x5] =	stream.linear.gather [hbm4b:s23+s2], $0x80, $0x38;
	[tilespmem:$0x8100] =	vst v63  }
0x4e: {  	_ =	swait.ge [sflag:s3], $0x80  }
0x4f: {  	[sflag:s3] =	ssyncset.done $0x0  }
0x50: {  	[sflag:s3] =	ssyncadd.s32 $0xFFFFFF80  }
0x51: {  	[tilespmem:s7], [sflag:$0x2] =	stream.indirect.gather [hbm4b:s4+s5], $0x80, s5, s5, $0xb8;
	[tilespmem:$0x8100] =	vst v63  }
0x52: {  	_ =	swait.ge [sflag:s8], $0x4000  }
0x53: {  	[sflag:s8] =	ssyncset.done $0x0  }
0x54: {  	s24 =	rddreg [dreg:$0xd];
	[sflag:s8] =	ssyncadd.s32 $0xFFFFC000  }
0x55: {  	[hbm4b:s24+s2] =	stream.linear.scatter [tilespmem:s6], [sflag:$0x3], $0x4000, $0x38;
	[tilespmem:$0x8100] =	vst v63  }
0x56: {  	_ =	swait.ge [sflag:s9], $0x4000  }
0x57: {  	[sflag:s9] =	ssyncset.done $0x0  }
0x58: {  	s25 =	rddreg [dreg:$0xe];
	[sflag:s9] =	ssyncadd.s32 $0xFFFFC000  }
0x59: {  	[tilespmem:s2], [sflag:$0x5] =	stream.linear.gather [hbm4b:s25+s2], $0x80, $0x38;
	[tilespmem:$0x8100] =	vst v63  }
0x5a: {  	_ =	swait.ge [sflag:s3], $0x80  }
0x5b: {  	[sflag:s3] =	ssyncset.done $0x0  }
0x5c: {  	[sflag:s3] =	ssyncadd.s32 $0xFFFFFF80  }
0x5d: {  	[tilespmem:s6], [sflag:$0x1] =	stream.indirect.gather [hbm4b:s4+s5], $0x80, s2, s5, $0xb8;
	[tilespmem:$0x8100] =	vst v63  }
0x5e: {  	_ =	swait.ge [sflag:s10], $0x4000  }
0x5f: {  	[sflag:s10] =	ssyncset.done $0x0  }
0x60: {  	s26 =	rddreg [dreg:$0xf];
	[sflag:s10] =	ssyncadd.s32 $0xFFFFC000  }
0x61: {  	[hbm4b:s26+s2] =	stream.linear.scatter [tilespmem:s7], [sflag:$0x4], $0x4000, $0x38;
	[tilespmem:$0x8100] =	vst v63  }
0x62: {  	s15 =	sor.u32 $0x380, s30;
	_ =	swait.ge [sflag:s11], $0x4000  }
0x63: {  	s0 =	sshrl.u32 s15, $0x3;
	[sflag:s11] =	ssyncset.done $0x0  }
0x64: {  	s12 =	sadd.s32 s29, s0;
	[sflag:s11] =	ssyncadd.s32 $0xFFFFC000  }
0x65: {  	[tilespmem:s5], [sflag:$0x5] =	stream.linear.gather [hbm4b:s12+s2], $0x80, $0x38;
	[tilespmem:$0x8100] =	vst v63  }
0x66: {  	_ =	swait.ge [sflag:s3], $0x80  }
0x67: {  	[sflag:s3] =	ssyncset.done $0x0  }
0x68: {  	[sflag:s3] =	ssyncadd.s32 $0xFFFFFF80  }
0x69: {  	[tilespmem:s7], [sflag:$0x2] =	stream.indirect.gather [hbm4b:s4+s5], $0x80, s5, s5, $0xb8;
	[tilespmem:$0x8100] =	vst v63  }
0x6a: {  	_ =	swait.ge [sflag:s8], $0x4000  }
0x6b: {  	s13 =	sshll.u32 s13, $0x4;
	[sflag:s8] =	ssyncset.done $0x0  }
0x6c: {  	s13 =	sadd.s32 s31, s13;
	[sflag:s8] =	ssyncadd.s32 $0xFFFFC000  }
0x6d: {  	[hbm4b:s13+s2] =	stream.linear.scatter [tilespmem:s6], [sflag:$0x3], $0x4000, $0x38;
	[tilespmem:$0x8100] =	vst v63  }
0x6e: {  	s17 =	sor.u32 $0x400, s30;
	_ =	swait.ge [sflag:s9], $0x4000  }
0x6f: {  	s14 =	sshrl.u32 s17, $0x3;
	[sflag:s9] =	ssyncset.done $0x0  }
0x70: {  	s14 =	sadd.s32 s29, s14;
	[sflag:s9] =	ssyncadd.s32 $0xFFFFC000  }
0x71: {  	[tilespmem:s2], [sflag:$0x5] =	stream.linear.gather [hbm4b:s14+s2], $0x80, $0x38;
	[tilespmem:$0x8100] =	vst v63  }
0x72: {  	_ =	swait.ge [sflag:s3], $0x80  }
0x73: {  	[sflag:s3] =	ssyncset.done $0x0  }
0x74: {  	[sflag:s3] =	ssyncadd.s32 $0xFFFFFF80  }
0x75: {  	[tilespmem:s6], [sflag:$0x1] =	stream.indirect.gather [hbm4b:s4+s5], $0x80, s2, s5, $0xb8;
	[tilespmem:$0x8100] =	vst v63  }
0x76: {  	_ =	swait.ge [sflag:s10], $0x4000  }
0x77: {  	s15 =	sshll.u32 s15, $0x4;
	[sflag:s10] =	ssyncset.done $0x0  }
0x78: {  	s15 =	sadd.s32 s31, s15;
	[sflag:s10] =	ssyncadd.s32 $0xFFFFC000  }
0x79: {  	[hbm4b:s15+s2] =	stream.linear.scatter [tilespmem:s7], [sflag:$0x4], $0x4000, $0x38;
	[tilespmem:$0x8100] =	vst v63  }
0x7a: {  	s19 =	sor.u32 $0x480, s30;
	_ =	swait.ge [sflag:s11], $0x4000  }
0x7b: {  	s16 =	sshrl.u32 s19, $0x3;
	[sflag:s11] =	ssyncset.done $0x0  }
0x7c: {  	s16 =	sadd.s32 s29, s16;
	[sflag:s11] =	ssyncadd.s32 $0xFFFFC000  }
0x7d: {  	[tilespmem:s5], [sflag:$0x5] =	stream.linear.gather [hbm4b:s16+s2], $0x80, $0x38;
	[tilespmem:$0x8100] =	vst v63  }
0x7e: {  	_ =	swait.ge [sflag:s3], $0x80  }
0x7f: {  	[sflag:s3] =	ssyncset.done $0x0  }
0x80: {  	[sflag:s3] =	ssyncadd.s32 $0xFFFFFF80  }
0x81: {  	[tilespmem:s7], [sflag:$0x2] =	stream.indirect.gather [hbm4b:s4+s5], $0x80, s5, s5, $0xb8;
	[tilespmem:$0x8100] =	vst v63  }
0x82: {  	_ =	swait.ge [sflag:s8], $0x4000  }
0x83: {  	s17 =	sshll.u32 s17, $0x4;
	[sflag:s8] =	ssyncset.done $0x0  }
0x84: {  	s17 =	sadd.s32 s31, s17;
	[sflag:s8] =	ssyncadd.s32 $0xFFFFC000  }
0x85: {  	[hbm4b:s17+s2] =	stream.linear.scatter [tilespmem:s6], [sflag:$0x3], $0x4000, $0x38;
	[tilespmem:$0x8100] =	vst v63  }
0x86: {  	s21 =	sor.u32 $0x500, s30;
	_ =	swait.ge [sflag:s9], $0x4000  }
0x87: {  	s18 =	sshrl.u32 s21, $0x3;
	[sflag:s9] =	ssyncset.done $0x0  }
0x88: {  	s18 =	sadd.s32 s29, s18;
	[sflag:s9] =	ssyncadd.s32 $0xFFFFC000  }
0x89: {  	[tilespmem:s2], [sflag:$0x5] =	stream.linear.gather [hbm4b:s18+s2], $0x80, $0x38;
	[tilespmem:$0x8100] =	vst v63  }
0x8a: {  	_ =	swait.ge [sflag:s3], $0x80  }
0x8b: {  	[sflag:s3] =	ssyncset.done $0x0  }
0x8c: {  	[sflag:s3] =	ssyncadd.s32 $0xFFFFFF80  }
0x8d: {  	[tilespmem:s6], [sflag:$0x1] =	stream.indirect.gather [hbm4b:s4+s5], $0x80, s2, s5, $0xb8;
	[tilespmem:$0x8100] =	vst v63  }
0x8e: {  	_ =	swait.ge [sflag:s10], $0x4000  }
0x8f: {  	s19 =	sshll.u32 s19, $0x4;
	[sflag:s10] =	ssyncset.done $0x0  }
0x90: {  	s19 =	sadd.s32 s31, s19;
	[sflag:s10] =	ssyncadd.s32 $0xFFFFC000  }
0x91: {  	[hbm4b:s19+s2] =	stream.linear.scatter [tilespmem:s7], [sflag:$0x4], $0x4000, $0x38;
	[tilespmem:$0x8100] =	vst v63  }
0x92: {  	s23 =	sor.u32 $0x580, s30;
	_ =	swait.ge [sflag:s11], $0x4000  }
0x93: {  	s20 =	sshrl.u32 s23, $0x3;
	[sflag:s11] =	ssyncset.done $0x0  }
0x94: {  	s20 =	sadd.s32 s29, s20;
	[sflag:s11] =	ssyncadd.s32 $0xFFFFC000  }
0x95: {  	[tilespmem:s5], [sflag:$0x5] =	stream.linear.gather [hbm4b:s20+s2], $0x80, $0x38;
	[tilespmem:$0x8100] =	vst v63  }
0x96: {  	_ =	swait.ge [sflag:s3], $0x80  }
0x97: {  	[sflag:s3] =	ssyncset.done $0x0  }
0x98: {  	[sflag:s3] =	ssyncadd.s32 $0xFFFFFF80  }
0x99: {  	[tilespmem:s7], [sflag:$0x2] =	stream.indirect.gather [hbm4b:s4+s5], $0x80, s5, s5, $0xb8;
	[tilespmem:$0x8100] =	vst v63  }
0x9a: {  	_ =	swait.ge [sflag:s8], $0x4000  }
0x9b: {  	s21 =	sshll.u32 s21, $0x4;
	[sflag:s8] =	ssyncset.done $0x0  }
0x9c: {  	s21 =	sadd.s32 s31, s21;
	[sflag:s8] =	ssyncadd.s32 $0xFFFFC000  }
0x9d: {  	[hbm4b:s21+s2] =	stream.linear.scatter [tilespmem:s6], [sflag:$0x3], $0x4000, $0x38;
	[tilespmem:$0x8100] =	vst v63  }
0x9e: {  	s25 =	sor.u32 $0x600, s30;
	_ =	swait.ge [sflag:s9], $0x4000  }
0x9f: {  	s22 =	sshrl.u32 s25, $0x3;
	[sflag:s9] =	ssyncset.done $0x0  }
0xa0: {  	s22 =	sadd.s32 s29, s22;
	[sflag:s9] =	ssyncadd.s32 $0xFFFFC000  }
0xa1: {  	[tilespmem:s2], [sflag:$0x5] =	stream.linear.gather [hbm4b:s22+s2], $0x80, $0x38;
	[tilespmem:$0x8100] =	vst v63  }
0xa2: {  	_ =	swait.ge [sflag:s3], $0x80  }
0xa3: {  	[sflag:s3] =	ssyncset.done $0x0  }
0xa4: {  	[sflag:s3] =	ssyncadd.s32 $0xFFFFFF80  }
0xa5: {  	[tilespmem:s6], [sflag:$0x1] =	stream.indirect.gather [hbm4b:s4+s5], $0x80, s2, s5, $0xb8;
	[tilespmem:$0x8100] =	vst v63  }
0xa6: {  	_ =	swait.ge [sflag:s10], $0x4000  }
0xa7: {  	s23 =	sshll.u32 s23, $0x4;
	[sflag:s10] =	ssyncset.done $0x0  }
0xa8: {  	s23 =	sadd.s32 s31, s23;
	[sflag:s10] =	ssyncadd.s32 $0xFFFFC000  }
0xa9: {  	[hbm4b:s23+s2] =	stream.linear.scatter [tilespmem:s7], [sflag:$0x4], $0x4000, $0x38;
	[tilespmem:$0x8100] =	vst v63  }
0xaa: {  	s28 =	sor.u32 $0x680, s30;
	_ =	swait.ge [sflag:s11], $0x4000  }
0xab: {  	s24 =	sshrl.u32 s28, $0x3;
	[sflag:s11] =	ssyncset.done $0x0  }
0xac: {  	s24 =	sadd.s32 s29, s24;
	[sflag:s11] =	ssyncadd.s32 $0xFFFFC000  }
0xad: {  	[tilespmem:s5], [sflag:$0x5] =	stream.linear.gather [hbm4b:s24+s2], $0x80, $0x38;
	[tilespmem:$0x8100] =	vst v63  }
0xae: {  	_ =	swait.ge [sflag:s3], $0x80  }
0xaf: {  	[sflag:s3] =	ssyncset.done $0x0  }
0xb0: {  	[sflag:s3] =	ssyncadd.s32 $0xFFFFFF80  }
0xb1: {  	[tilespmem:s7], [sflag:$0x2] =	stream.indirect.gather [hbm4b:s4+s5], $0x80, s5, s5, $0xb8;
	[tilespmem:$0x8100] =	vst v63  }
0xb2: {  	_ =	swait.ge [sflag:s8], $0x4000  }
0xb3: {  	s25 =	sshll.u32 s25, $0x4;
	[sflag:s8] =	ssyncset.done $0x0  }
0xb4: {  	s25 =	sadd.s32 s31, s25;
	[sflag:s8] =	ssyncadd.s32 $0xFFFFC000  }
0xb5: {  	[hbm4b:s25+s2] =	stream.linear.scatter [tilespmem:s6], [sflag:$0x3], $0x4000, $0x38;
	[tilespmem:$0x8100] =	vst v63  }
0xb6: {  	s1 =	sor.u32 $0x700, s30;
	_ =	swait.ge [sflag:s9], $0x4000  }
0xb7: {  	s26 =	sshrl.u32 s1, $0x3;
	[sflag:s9] =	ssyncset.done $0x0  }
0xb8: {  	s26 =	sadd.s32 s29, s26;
	[sflag:s9] =	ssyncadd.s32 $0xFFFFC000  }
0xb9: {  	[tilespmem:s2], [sflag:$0x5] =	stream.linear.gather [hbm4b:s26+s2], $0x80, $0x38;
	[tilespmem:$0x8100] =	vst v63  }
0xba: {  	_ =	swait.ge [sflag:s3], $0x80  }
0xbb: {  	[sflag:s3] =	ssyncset.done $0x0  }
0xbc: {  	[sflag:s3] =	ssyncadd.s32 $0xFFFFFF80  }
0xbd: {  	[tilespmem:s6], [sflag:$0x1] =	stream.indirect.gather [hbm4b:s4+s5], $0x80, s2, s5, $0xb8;
	[tilespmem:$0x8100] =	vst v63  }
0xbe: {  	_ =	swait.ge [sflag:s10], $0x4000  }
0xbf: {  	s28 =	sshll.u32 s28, $0x4;
	[sflag:s10] =	ssyncset.done $0x0  }
0xc0: {  	s28 =	sadd.s32 s31, s28;
	[sflag:s10] =	ssyncadd.s32 $0xFFFFC000  }
0xc1: {  	[hbm4b:s28+s2] =	stream.linear.scatter [tilespmem:s7], [sflag:$0x4], $0x4000, $0x38;
	[tilespmem:$0x8100] =	vst v63  }
0xc2: {  	s0 =	sor.u32 $0x780, s30;
	_ =	swait.ge [sflag:s11], $0x4000  }
0xc3: {  	s30 =	sshrl.u32 s0, $0x3;
	[sflag:s11] =	ssyncset.done $0x0  }
0xc4: {  	s29 =	sadd.s32 s29, s30;
	[sflag:s11] =	ssyncadd.s32 $0xFFFFC000  }
0xc5: {  	[tilespmem:s5], [sflag:$0x5] =	stream.linear.gather [hbm4b:s29+s2], $0x80, $0x38;
	[tilespmem:$0x8100] =	vst v63  }
0xc6: {  	_ =	swait.ge [sflag:s3], $0x80  }
0xc7: {  	[sflag:s3] =	ssyncset.done $0x0  }
0xc8: {  	[sflag:s3] =	ssyncadd.s32 $0xFFFFFF80  }
0xc9: {  	[tilespmem:s7], [sflag:$0x2] =	stream.indirect.gather [hbm4b:s4+s5], $0x80, s5, s5, $0xb8;
	[tilespmem:$0x8100] =	vst v63  }
0xca: {  	_ =	swait.ge [sflag:s8], $0x4000  }
0xcb: {  	s1 =	sshll.u32 s1, $0x4;
	[sflag:s8] =	ssyncset.done $0x0  }
0xcc: {  	s30 =	sadd.s32 s31, s1;
	[sflag:s8] =	ssyncadd.s32 $0xFFFFC000  }
0xcd: {  	[hbm4b:s30+s2] =	stream.linear.scatter [tilespmem:s6], [sflag:$0x3], $0x4000, $0x38;
	[tilespmem:$0x8100] =	vst v63  }
0xce: {  	_ =	swait.ge [sflag:s10], $0x4000  }
0xcf: {  	s0 =	sshll.u32 s0, $0x4;
	[sflag:s10] =	ssyncset.done $0x0;
	s1 =	rddreg [dreg:$0x10]  }
0xd0: {  	s31 =	sadd.s32 s31, s0;
	s0 =	ssub.s32 $0x2, s1;
	[sflag:s10] =	ssyncadd.s32 $0xFFFFC000  }
0xd1: {  	[hbm4b:s31+s2] =	stream.linear.scatter [tilespmem:s7], [sflag:$0x4], $0x4000, $0x38;
	[tilespmem:$0x8100] =	vst v63  }
0xd2: {  	s1 =	sshrl.u32 s0, $0x1  }
0xd3: {  	s0 =	ssub.s32 s0, s1  }
0xd4: {  	s0 =	smax.u32 s0, $0x1  }
0xd5: {  	p0 =	sne.s32 s0, $0x1  }
.Ltmp0:
0xd6: {  	_ =	swait.ge [sflag:s9], $0x4000;
	(pc) =	sbr.rel @!p0 .LBB2_2-.Ltmp0, $4  }
0xd7: {  	[sflag:s9] =	ssyncset.done $0x0  }
0xd8: {  	[sflag:s9] =	ssyncadd.s32 $0xFFFFC000  }
0xd9: {  	_ =	swait.ge [sflag:s11], $0x4000  }
0xda: {  	s0 =	sadd.s32 $0xFFFFFFFF, s0;
	[sflag:s11] =	ssyncset.done $0x0  }
.LBB2_1:
0xdb: {  	s1 =	rddreg [dreg:$0x3];
	[sflag:s11] =	ssyncadd.s32 $0xFFFFC000  }
0xdc: {  	[tilespmem:s2], [sflag:$0x5] =	stream.linear.gather [hbm4b:s1+s2], $0x80, $0x38;
	[tilespmem:$0x8100] =	vst v63  }
0xdd: {  	_ =	swait.ge [sflag:s3], $0x80  }
0xde: {  	[sflag:s3] =	ssyncset.done $0x0  }
0xdf: {  	[sflag:s3] =	ssyncadd.s32 $0xFFFFFF80  }
0xe0: {  	[tilespmem:s6], [sflag:$0x1] =	stream.indirect.gather [hbm4b:s4+s5], $0x80, s2, s5, $0xb8;
	[tilespmem:$0x8100] =	vst v63  }
0xe1: {  	s1 =	rddreg [dreg:$0x4]  }
0xe2: {  	[tilespmem:s5], [sflag:$0x5] =	stream.linear.gather [hbm4b:s1+s2], $0x80, $0x38;
	[tilespmem:$0x8100] =	vst v63  }
0xe3: {  	_ =	swait.ge [sflag:s3], $0x80  }
0xe4: {  	[sflag:s3] =	ssyncset.done $0x0  }
0xe5: {  	[sflag:s3] =	ssyncadd.s32 $0xFFFFFF80  }
0xe6: {  	[tilespmem:s7], [sflag:$0x2] =	stream.indirect.gather [hbm4b:s4+s5], $0x80, s5, s5, $0xb8;
	[tilespmem:$0x8100] =	vst v63  }
0xe7: {  	_ =	swait.ge [sflag:s8], $0x4000  }
0xe8: {  	[sflag:s8] =	ssyncset.done $0x0  }
0xe9: {  	s1 =	rddreg [dreg:$0x5];
	[sflag:s8] =	ssyncadd.s32 $0xFFFFC000  }
0xea: {  	[hbm4b:s1+s2] =	stream.linear.scatter [tilespmem:s6], [sflag:$0x3], $0x4000, $0x38;
	[tilespmem:$0x8100] =	vst v63  }
0xeb: {  	_ =	swait.ge [sflag:s9], $0x4000  }
0xec: {  	[sflag:s9] =	ssyncset.done $0x0  }
0xed: {  	s1 =	rddreg [dreg:$0x6];
	[sflag:s9] =	ssyncadd.s32 $0xFFFFC000  }
0xee: {  	[tilespmem:s2], [sflag:$0x5] =	stream.linear.gather [hbm4b:s1+s2], $0x80, $0x38;
	[tilespmem:$0x8100] =	vst v63  }
0xef: {  	_ =	swait.ge [sflag:s3], $0x80  }
0xf0: {  	[sflag:s3] =	ssyncset.done $0x0  }
0xf1: {  	[sflag:s3] =	ssyncadd.s32 $0xFFFFFF80  }
0xf2: {  	[tilespmem:s6], [sflag:$0x1] =	stream.indirect.gather [hbm4b:s4+s5], $0x80, s2, s5, $0xb8;
	[tilespmem:$0x8100] =	vst v63  }
0xf3: {  	_ =	swait.ge [sflag:s10], $0x4000  }
0xf4: {  	[sflag:s10] =	ssyncset.done $0x0  }
0xf5: {  	s1 =	rddreg [dreg:$0x7];
	[sflag:s10] =	ssyncadd.s32 $0xFFFFC000  }
0xf6: {  	[hbm4b:s1+s2] =	stream.linear.scatter [tilespmem:s7], [sflag:$0x4], $0x4000, $0x38;
	[tilespmem:$0x8100] =	vst v63  }
0xf7: {  	_ =	swait.ge [sflag:s11], $0x4000  }
0xf8: {  	[sflag:s11] =	ssyncset.done $0x0  }
0xf9: {  	s1 =	rddreg [dreg:$0x8];
	[sflag:s11] =	ssyncadd.s32 $0xFFFFC000  }
0xfa: {  	[tilespmem:s5], [sflag:$0x5] =	stream.linear.gather [hbm4b:s1+s2], $0x80, $0x38;
	[tilespmem:$0x8100] =	vst v63  }
0xfb: {  	_ =	swait.ge [sflag:s3], $0x80  }
0xfc: {  	[sflag:s3] =	ssyncset.done $0x0  }
0xfd: {  	[sflag:s3] =	ssyncadd.s32 $0xFFFFFF80  }
0xfe: {  	[tilespmem:s7], [sflag:$0x2] =	stream.indirect.gather [hbm4b:s4+s5], $0x80, s5, s5, $0xb8;
	[tilespmem:$0x8100] =	vst v63  }
0xff: {  	_ =	swait.ge [sflag:s8], $0x4000  }
0x100: {  	[sflag:s8] =	ssyncset.done $0x0  }
0x101: {  	s1 =	rddreg [dreg:$0x9];
	[sflag:s8] =	ssyncadd.s32 $0xFFFFC000  }
0x102: {  	[hbm4b:s1+s2] =	stream.linear.scatter [tilespmem:s6], [sflag:$0x3], $0x4000, $0x38;
	[tilespmem:$0x8100] =	vst v63  }
0x103: {  	_ =	swait.ge [sflag:s9], $0x4000  }
0x104: {  	[sflag:s9] =	ssyncset.done $0x0  }
0x105: {  	s1 =	rddreg [dreg:$0xa];
	[sflag:s9] =	ssyncadd.s32 $0xFFFFC000  }
0x106: {  	[tilespmem:s2], [sflag:$0x5] =	stream.linear.gather [hbm4b:s1+s2], $0x80, $0x38;
	[tilespmem:$0x8100] =	vst v63  }
0x107: {  	_ =	swait.ge [sflag:s3], $0x80  }
0x108: {  	[sflag:s3] =	ssyncset.done $0x0  }
0x109: {  	[sflag:s3] =	ssyncadd.s32 $0xFFFFFF80  }
0x10a: {  	[tilespmem:s6], [sflag:$0x1] =	stream.indirect.gather [hbm4b:s4+s5], $0x80, s2, s5, $0xb8;
	[tilespmem:$0x8100] =	vst v63  }
0x10b: {  	_ =	swait.ge [sflag:s10], $0x4000  }
0x10c: {  	[sflag:s10] =	ssyncset.done $0x0  }
0x10d: {  	s1 =	rddreg [dreg:$0xb];
	[sflag:s10] =	ssyncadd.s32 $0xFFFFC000  }
0x10e: {  	[hbm4b:s1+s2] =	stream.linear.scatter [tilespmem:s7], [sflag:$0x4], $0x4000, $0x38;
	[tilespmem:$0x8100] =	vst v63  }
0x10f: {  	_ =	swait.ge [sflag:s11], $0x4000  }
0x110: {  	[sflag:s11] =	ssyncset.done $0x0  }
0x111: {  	s1 =	rddreg [dreg:$0xc];
	[sflag:s11] =	ssyncadd.s32 $0xFFFFC000  }
0x112: {  	[tilespmem:s5], [sflag:$0x5] =	stream.linear.gather [hbm4b:s1+s2], $0x80, $0x38;
	[tilespmem:$0x8100] =	vst v63  }
0x113: {  	_ =	swait.ge [sflag:s3], $0x80  }
0x114: {  	[sflag:s3] =	ssyncset.done $0x0  }
0x115: {  	[sflag:s3] =	ssyncadd.s32 $0xFFFFFF80  }
0x116: {  	[tilespmem:s7], [sflag:$0x2] =	stream.indirect.gather [hbm4b:s4+s5], $0x80, s5, s5, $0xb8;
	[tilespmem:$0x8100] =	vst v63  }
0x117: {  	_ =	swait.ge [sflag:s8], $0x4000  }
0x118: {  	[sflag:s8] =	ssyncset.done $0x0  }
0x119: {  	s1 =	rddreg [dreg:$0xd];
	[sflag:s8] =	ssyncadd.s32 $0xFFFFC000  }
0x11a: {  	[hbm4b:s1+s2] =	stream.linear.scatter [tilespmem:s6], [sflag:$0x3], $0x4000, $0x38;
	[tilespmem:$0x8100] =	vst v63  }
0x11b: {  	_ =	swait.ge [sflag:s9], $0x4000  }
0x11c: {  	[sflag:s9] =	ssyncset.done $0x0  }
0x11d: {  	s1 =	rddreg [dreg:$0xe];
	[sflag:s9] =	ssyncadd.s32 $0xFFFFC000  }
0x11e: {  	[tilespmem:s2], [sflag:$0x5] =	stream.linear.gather [hbm4b:s1+s2], $0x80, $0x38;
	[tilespmem:$0x8100] =	vst v63  }
0x11f: {  	_ =	swait.ge [sflag:s3], $0x80  }
0x120: {  	[sflag:s3] =	ssyncset.done $0x0  }
0x121: {  	[sflag:s3] =	ssyncadd.s32 $0xFFFFFF80  }
0x122: {  	[tilespmem:s6], [sflag:$0x1] =	stream.indirect.gather [hbm4b:s4+s5], $0x80, s2, s5, $0xb8;
	[tilespmem:$0x8100] =	vst v63  }
0x123: {  	_ =	swait.ge [sflag:s10], $0x4000  }
0x124: {  	[sflag:s10] =	ssyncset.done $0x0  }
0x125: {  	s1 =	rddreg [dreg:$0xf];
	[sflag:s10] =	ssyncadd.s32 $0xFFFFC000  }
0x126: {  	[hbm4b:s1+s2] =	stream.linear.scatter [tilespmem:s7], [sflag:$0x4], $0x4000, $0x38;
	[tilespmem:$0x8100] =	vst v63  }
0x127: {  	_ =	swait.ge [sflag:s11], $0x4000  }
0x128: {  	[sflag:s11] =	ssyncset.done $0x0  }
0x129: {  	[sflag:s11] =	ssyncadd.s32 $0xFFFFC000  }
0x12a: {  	[tilespmem:s5], [sflag:$0x5] =	stream.linear.gather [hbm4b:s12+s2], $0x80, $0x38;
	[tilespmem:$0x8100] =	vst v63  }
0x12b: {  	_ =	swait.ge [sflag:s3], $0x80  }
0x12c: {  	[sflag:s3] =	ssyncset.done $0x0  }
0x12d: {  	[sflag:s3] =	ssyncadd.s32 $0xFFFFFF80  }
0x12e: {  	[tilespmem:s7], [sflag:$0x2] =	stream.indirect.gather [hbm4b:s4+s5], $0x80, s5, s5, $0xb8;
	[tilespmem:$0x8100] =	vst v63  }
0x12f: {  	_ =	swait.ge [sflag:s8], $0x4000  }
0x130: {  	[sflag:s8] =	ssyncset.done $0x0  }
0x131: {  	[sflag:s8] =	ssyncadd.s32 $0xFFFFC000  }
0x132: {  	[hbm4b:s13+s2] =	stream.linear.scatter [tilespmem:s6], [sflag:$0x3], $0x4000, $0x38;
	[tilespmem:$0x8100] =	vst v63  }
0x133: {  	_ =	swait.ge [sflag:s9], $0x4000  }
0x134: {  	[sflag:s9] =	ssyncset.done $0x0  }
0x135: {  	[sflag:s9] =	ssyncadd.s32 $0xFFFFC000  }
0x136: {  	[tilespmem:s2], [sflag:$0x5] =	stream.linear.gather [hbm4b:s14+s2], $0x80, $0x38;
	[tilespmem:$0x8100] =	vst v63  }
0x137: {  	_ =	swait.ge [sflag:s3], $0x80  }
0x138: {  	[sflag:s3] =	ssyncset.done $0x0  }
0x139: {  	[sflag:s3] =	ssyncadd.s32 $0xFFFFFF80  }
0x13a: {  	[tilespmem:s6], [sflag:$0x1] =	stream.indirect.gather [hbm4b:s4+s5], $0x80, s2, s5, $0xb8;
	[tilespmem:$0x8100] =	vst v63  }
0x13b: {  	_ =	swait.ge [sflag:s10], $0x4000  }
0x13c: {  	[sflag:s10] =	ssyncset.done $0x0  }
0x13d: {  	[sflag:s10] =	ssyncadd.s32 $0xFFFFC000  }
0x13e: {  	[hbm4b:s15+s2] =	stream.linear.scatter [tilespmem:s7], [sflag:$0x4], $0x4000, $0x38;
	[tilespmem:$0x8100] =	vst v63  }
0x13f: {  	_ =	swait.ge [sflag:s11], $0x4000  }
0x140: {  	[sflag:s11] =	ssyncset.done $0x0  }
0x141: {  	[sflag:s11] =	ssyncadd.s32 $0xFFFFC000  }
0x142: {  	[tilespmem:s5], [sflag:$0x5] =	stream.linear.gather [hbm4b:s16+s2], $0x80, $0x38;
	[tilespmem:$0x8100] =	vst v63  }
0x143: {  	_ =	swait.ge [sflag:s3], $0x80  }
0x144: {  	[sflag:s3] =	ssyncset.done $0x0  }
0x145: {  	[sflag:s3] =	ssyncadd.s32 $0xFFFFFF80  }
0x146: {  	[tilespmem:s7], [sflag:$0x2] =	stream.indirect.gather [hbm4b:s4+s5], $0x80, s5, s5, $0xb8;
	[tilespmem:$0x8100] =	vst v63  }
0x147: {  	_ =	swait.ge [sflag:s8], $0x4000  }
0x148: {  	[sflag:s8] =	ssyncset.done $0x0  }
0x149: {  	[sflag:s8] =	ssyncadd.s32 $0xFFFFC000  }
0x14a: {  	[hbm4b:s17+s2] =	stream.linear.scatter [tilespmem:s6], [sflag:$0x3], $0x4000, $0x38;
	[tilespmem:$0x8100] =	vst v63  }
0x14b: {  	_ =	swait.ge [sflag:s9], $0x4000  }
0x14c: {  	[sflag:s9] =	ssyncset.done $0x0  }
0x14d: {  	[sflag:s9] =	ssyncadd.s32 $0xFFFFC000  }
0x14e: {  	[tilespmem:s2], [sflag:$0x5] =	stream.linear.gather [hbm4b:s18+s2], $0x80, $0x38;
	[tilespmem:$0x8100] =	vst v63  }
0x14f: {  	_ =	swait.ge [sflag:s3], $0x80  }
0x150: {  	[sflag:s3] =	ssyncset.done $0x0  }
0x151: {  	[sflag:s3] =	ssyncadd.s32 $0xFFFFFF80  }
0x152: {  	[tilespmem:s6], [sflag:$0x1] =	stream.indirect.gather [hbm4b:s4+s5], $0x80, s2, s5, $0xb8;
	[tilespmem:$0x8100] =	vst v63  }
0x153: {  	_ =	swait.ge [sflag:s10], $0x4000  }
0x154: {  	[sflag:s10] =	ssyncset.done $0x0  }
0x155: {  	[sflag:s10] =	ssyncadd.s32 $0xFFFFC000  }
0x156: {  	[hbm4b:s19+s2] =	stream.linear.scatter [tilespmem:s7], [sflag:$0x4], $0x4000, $0x38;
	[tilespmem:$0x8100] =	vst v63  }
0x157: {  	_ =	swait.ge [sflag:s11], $0x4000  }
0x158: {  	[sflag:s11] =	ssyncset.done $0x0  }
0x159: {  	[sflag:s11] =	ssyncadd.s32 $0xFFFFC000  }
0x15a: {  	[tilespmem:s5], [sflag:$0x5] =	stream.linear.gather [hbm4b:s20+s2], $0x80, $0x38;
	[tilespmem:$0x8100] =	vst v63  }
0x15b: {  	_ =	swait.ge [sflag:s3], $0x80  }
0x15c: {  	[sflag:s3] =	ssyncset.done $0x0  }
0x15d: {  	[sflag:s3] =	ssyncadd.s32 $0xFFFFFF80  }
0x15e: {  	[tilespmem:s7], [sflag:$0x2] =	stream.indirect.gather [hbm4b:s4+s5], $0x80, s5, s5, $0xb8;
	[tilespmem:$0x8100] =	vst v63  }
0x15f: {  	_ =	swait.ge [sflag:s8], $0x4000  }
0x160: {  	[sflag:s8] =	ssyncset.done $0x0  }
0x161: {  	[sflag:s8] =	ssyncadd.s32 $0xFFFFC000  }
0x162: {  	[hbm4b:s21+s2] =	stream.linear.scatter [tilespmem:s6], [sflag:$0x3], $0x4000, $0x38;
	[tilespmem:$0x8100] =	vst v63  }
0x163: {  	_ =	swait.ge [sflag:s9], $0x4000  }
0x164: {  	[sflag:s9] =	ssyncset.done $0x0  }
0x165: {  	[sflag:s9] =	ssyncadd.s32 $0xFFFFC000  }
0x166: {  	[tilespmem:s2], [sflag:$0x5] =	stream.linear.gather [hbm4b:s22+s2], $0x80, $0x38;
	[tilespmem:$0x8100] =	vst v63  }
0x167: {  	_ =	swait.ge [sflag:s3], $0x80  }
0x168: {  	[sflag:s3] =	ssyncset.done $0x0  }
0x169: {  	[sflag:s3] =	ssyncadd.s32 $0xFFFFFF80  }
0x16a: {  	[tilespmem:s6], [sflag:$0x1] =	stream.indirect.gather [hbm4b:s4+s5], $0x80, s2, s5, $0xb8;
	[tilespmem:$0x8100] =	vst v63  }
0x16b: {  	_ =	swait.ge [sflag:s10], $0x4000  }
0x16c: {  	[sflag:s10] =	ssyncset.done $0x0  }
0x16d: {  	[sflag:s10] =	ssyncadd.s32 $0xFFFFC000  }
0x16e: {  	[hbm4b:s23+s2] =	stream.linear.scatter [tilespmem:s7], [sflag:$0x4], $0x4000, $0x38;
	[tilespmem:$0x8100] =	vst v63  }
0x16f: {  	_ =	swait.ge [sflag:s11], $0x4000  }
0x170: {  	[sflag:s11] =	ssyncset.done $0x0  }
0x171: {  	[sflag:s11] =	ssyncadd.s32 $0xFFFFC000  }
0x172: {  	[tilespmem:s5], [sflag:$0x5] =	stream.linear.gather [hbm4b:s24+s2], $0x80, $0x38;
	[tilespmem:$0x8100] =	vst v63  }
0x173: {  	_ =	swait.ge [sflag:s3], $0x80  }
0x174: {  	[sflag:s3] =	ssyncset.done $0x0  }
0x175: {  	[sflag:s3] =	ssyncadd.s32 $0xFFFFFF80  }
0x176: {  	[tilespmem:s7], [sflag:$0x2] =	stream.indirect.gather [hbm4b:s4+s5], $0x80, s5, s5, $0xb8;
	[tilespmem:$0x8100] =	vst v63  }
0x177: {  	_ =	swait.ge [sflag:s8], $0x4000  }
0x178: {  	[sflag:s8] =	ssyncset.done $0x0  }
0x179: {  	[sflag:s8] =	ssyncadd.s32 $0xFFFFC000  }
0x17a: {  	[hbm4b:s25+s2] =	stream.linear.scatter [tilespmem:s6], [sflag:$0x3], $0x4000, $0x38;
	[tilespmem:$0x8100] =	vst v63  }
0x17b: {  	_ =	swait.ge [sflag:s9], $0x4000  }
0x17c: {  	[sflag:s9] =	ssyncset.done $0x0  }
0x17d: {  	[sflag:s9] =	ssyncadd.s32 $0xFFFFC000  }
0x17e: {  	[tilespmem:s2], [sflag:$0x5] =	stream.linear.gather [hbm4b:s26+s2], $0x80, $0x38;
	[tilespmem:$0x8100] =	vst v63  }
0x17f: {  	_ =	swait.ge [sflag:s3], $0x80  }
0x180: {  	[sflag:s3] =	ssyncset.done $0x0  }
0x181: {  	[sflag:s3] =	ssyncadd.s32 $0xFFFFFF80  }
0x182: {  	[tilespmem:s6], [sflag:$0x1] =	stream.indirect.gather [hbm4b:s4+s5], $0x80, s2, s5, $0xb8;
	[tilespmem:$0x8100] =	vst v63  }
0x183: {  	_ =	swait.ge [sflag:s10], $0x4000  }
0x184: {  	[sflag:s10] =	ssyncset.done $0x0  }
0x185: {  	[sflag:s10] =	ssyncadd.s32 $0xFFFFC000  }
0x186: {  	[hbm4b:s28+s2] =	stream.linear.scatter [tilespmem:s7], [sflag:$0x4], $0x4000, $0x38;
	[tilespmem:$0x8100] =	vst v63  }
0x187: {  	_ =	swait.ge [sflag:s11], $0x4000  }
0x188: {  	[sflag:s11] =	ssyncset.done $0x0  }
0x189: {  	[sflag:s11] =	ssyncadd.s32 $0xFFFFC000  }
0x18a: {  	[tilespmem:s5], [sflag:$0x5] =	stream.linear.gather [hbm4b:s29+s2], $0x80, $0x38;
	[tilespmem:$0x8100] =	vst v63  }
0x18b: {  	_ =	swait.ge [sflag:s3], $0x80  }
0x18c: {  	[sflag:s3] =	ssyncset.done $0x0  }
0x18d: {  	[sflag:s3] =	ssyncadd.s32 $0xFFFFFF80  }
0x18e: {  	[tilespmem:s7], [sflag:$0x2] =	stream.indirect.gather [hbm4b:s4+s5], $0x80, s5, s5, $0xb8;
	[tilespmem:$0x8100] =	vst v63  }
0x18f: {  	_ =	swait.ge [sflag:s8], $0x4000  }
0x190: {  	[sflag:s8] =	ssyncset.done $0x0  }
0x191: {  	[sflag:s8] =	ssyncadd.s32 $0xFFFFC000  }
0x192: {  	[hbm4b:s30+s2] =	stream.linear.scatter [tilespmem:s6], [sflag:$0x3], $0x4000, $0x38;
	[tilespmem:$0x8100] =	vst v63  }
0x193: {  	_ =	swait.ge [sflag:s10], $0x4000  }
0x194: {  	[sflag:s10] =	ssyncset.done $0x0  }
0x195: {  	p0 =	sne.s32 s0, $0x1;
	[sflag:s10] =	ssyncadd.s32 $0xFFFFC000  }
0x196: {  	[hbm4b:s31+s2] =	stream.linear.scatter [tilespmem:s7], [sflag:$0x4], $0x4000, $0x38;
	[tilespmem:$0x8100] =	vst v63  }
.Ltmp1:
0x197: {  	_ =	swait.ge [sflag:s9], $0x4000;
	(pc) =	sbr.rel @p0 .LBB2_1-.Ltmp1, $4  }
0x198: {  	[sflag:s9] =	ssyncset.done $0x0  }
0x199: {  	[sflag:s9] =	ssyncadd.s32 $0xFFFFC000  }
0x19a: {  	_ =	swait.ge [sflag:s11], $0x4000  }
0x19b: {  	s0 =	sadd.s32 $0xFFFFFFFF, s0;
	[sflag:s11] =	ssyncset.done $0x0  }
.LBB2_2:
0x19c: {  	[sflag:s11] =	ssyncadd.s32 $0xFFFFC000  }
0x19d: {  	_ =	sfence.sel $0x180000  }
0x19e: {  	[bflag:$0x0] =	sbarrier.arrive $0xFFFF  }
0x19f: {  	_ =	strace $0x90000047  }
0x1a0: {  	s0 =	stileid.u32;
	[bflag:$0x2] =	sbarrier.arrive $0xFFFF  }
0x1a1: {  	p0 =	sne.s32 s0, $0x0;
	s0 =	rddreg [dreg:$0x2]  }
0x1a2: {  	s0 =	sadd.s32 @!p0 $0x100000, s0  }
0x1a3: {  	[sflag:s0] =	ssyncadd.tile.s32 @!p0 $0x1;
	_ =	shalt  }
.Lfunc_end2:
_tile_overlayer_lowered:
.L_overlay_start_2:
0x1a4: {  	(tag) =	ssettag $0x2  }
0x1a5: {  	s0 =	rddreg [dreg:$0x0];
	s2 =	stileid.u32  }
0x1a6: {  	s1 =	rddreg [dreg:$0x1];
	p0 =	sne.s32 s2, $0x0  }
0x1a7: {  	s3 =	rddreg [dreg:$0x2];
	[bflag:$0x3] =	sbarrier.arrive $0xFFFF;
	s2 =	simm.s32 @!p0 $0x1C05  }
0x1a8: {  	[timem:s3], [sflag:s2] =	dma.local @!p0 [hbm:s0], s1  }
0x1a9: {  	s0 =	simm.s32 @!p0 $0x5  }
0x1aa: {  	_ =	swait.ge @!p0 [sflag:s0], s1  }
0x1ab: {  	s1 =	ssub.s32 @!p0 $0x0, s1;
	[sflag:s0] =	ssyncset.done @!p0 $0x0  }
0x1ac: {  	[sflag:s0] =	ssyncadd.s32 @!p0 s1  }
0x1ad: {  	[bflag:$0x3] =	sbarrier.arrive $0xFFFF  }
0x1ae: {  	_ =	shalt  }

</sc_bundles>
